<compile_context>
chip_gen: v7x
topology: tpu7x:2x2x1
jax: 0.10.2.dev20260603
libtpu: 0.0.44.dev20260713+nightly
codegen_flags: <defaults>
</compile_context>

<pallas_src>
import functools

import jax
import jax.numpy as jnp
from jax import lax
from jax.experimental import pallas as pl
from jax.experimental.pallas import tpu as pltpu
from jax.experimental.pallas import tpu_sc as plsc

ROWS = 16384
COLS = 256
OUT_COLS = 64
STRIDE = 4

NUM_CORES = 2
NUM_SUBCORES = 16
NUM_WORKERS = NUM_CORES * NUM_SUBCORES
ROWS_PER_WORKER = ROWS // NUM_WORKERS
CHUNK = 128
NCHUNK = ROWS_PER_WORKER // CHUNK
NBUF = 2
IBLK = CHUNK // 16

_mesh = plsc.VectorSubcoreMesh(core_axis_name="c", subcore_axis_name="s")


@functools.partial(
    pl.kernel,
    mesh=_mesh,
    out_type=jax.ShapeDtypeStruct((OUT_COLS, ROWS), jnp.float32),
    scratch_types=[
        pltpu.VMEM((CHUNK, COLS), jnp.float32),
        pltpu.VMEM((CHUNK, COLS), jnp.float32),
        pltpu.VMEM((OUT_COLS, CHUNK), jnp.float32),
        pltpu.VMEM((OUT_COLS, CHUNK), jnp.float32),
        pltpu.SemaphoreType.DMA,
        pltpu.SemaphoreType.DMA,
        pltpu.SemaphoreType.DMA,
        pltpu.SemaphoreType.DMA,
    ],
    compiler_params=pltpu.CompilerParams(needs_layout_passes=False),
)
def _cat_slice_sc(
    x_hbm, out_hbm, xb0, xb1, ob0, ob1, is0, is1, os0, os1
):
    wid = lax.axis_index("s") * NUM_CORES + lax.axis_index("c")
    r0 = pl.multiple_of(wid * ROWS_PER_WORKER, CHUNK)

    xbufs = [xb0, xb1]
    obufs = [ob0, ob1]
    isems = [is0, is1]
    osems = [os0, os1]

    lane = lax.iota(jnp.int32, 16)
    rows_i = [lane + 16 * i0 for i0 in range(IBLK)]

    def start_in(c):
        b = c % NBUF
        return pltpu.async_copy(
            x_hbm.at[pl.ds(r0 + c * CHUNK, CHUNK), :], xbufs[b], isems[b]
        )

    def gather_chunk(xbuf, obuf):
        def body(j0, carry):
            jv = lane + j0
            jv = jnp.where(jv >= OUT_COLS, jv - OUT_COLS, jv)
            cv = jv * STRIDE
            for i0 in range(IBLK):
                vals = plsc.load_gather(xbuf, [rows_i[i0], cv])
                plsc.store_scatter(obuf, [jv, rows_i[i0]], vals)
            return carry

        lax.fori_loop(0, OUT_COLS, body, 0, unroll=1)

    in_dma = [None] * NCHUNK
    out_dma = [None] * NCHUNK
    for c in range(NBUF - 1):
        in_dma[c] = start_in(c)
    for c in range(NCHUNK):
        b = c % NBUF
        ob = c % 2
        if c + NBUF - 1 < NCHUNK:
            in_dma[c + NBUF - 1] = start_in(c + NBUF - 1)
        in_dma[c].wait()
        if c >= 2:
            out_dma[c - 2].wait()
        gather_chunk(xbufs[b], obufs[ob])
        out_dma[c] = pltpu.async_copy(
            obufs[ob], out_hbm.at[:, pl.ds(r0 + c * CHUNK, CHUNK)], osems[ob]
        )
    out_dma[NCHUNK - 2].wait()
    out_dma[NCHUNK - 1].wait()


def kernel(x):
    return _cat_slice_sc(x).T

# --- scband reference (transcript-rebuilt; emitter-appended) ---
"""Pipeline reference for scband-cat-slice-4879082848340 (READ-ONLY COPY).

The authoritative reference and input builder live on the scoring server;
editing this copy changes nothing except your own understanding.
"""

import jax, jax.numpy as jnp
import numpy as np

# Fixed column indices from init_kwargs (idx = range(0, 256, 4), 64 columns)
IDX = jnp.arange(0, 256, 4, dtype=jnp.int32)


def setup_inputs(seed: int = 0) -> dict:
    key = jax.random.key(seed)
    x = jax.random.normal(key, (16384, 256), dtype=jnp.float32)
    return {"x": x}


def reference(x):
    # Faithful translation of tf.gather(x, indices=self.idx, axis=1)
    return jnp.take(x, IDX, axis=1)

if __name__ == "__main__":
    import jax
    _d = setup_inputs()
    print(jax.jit(kernel)(*tuple(_d.values())))

</pallas_src>

<mosaic_0001>
#map = affine_map<(d0, d1) -> (0, 0)>
module attributes {stable_mosaic.version = 14 : i64} {
  func.func @_cat_slice_sc(%arg0: i32, %arg1: i32, %arg2: memref<16384x256xf32, #tpu.memory_space<hbm>>, %arg3: memref<64x16384xf32, #tpu.memory_space<hbm>>, %arg4: memref<128x256xf32, #tpu.memory_space<vmem>>, %arg5: memref<128x256xf32, #tpu.memory_space<vmem>>, %arg6: memref<64x128xf32, #tpu.memory_space<vmem>>, %arg7: memref<64x128xf32, #tpu.memory_space<vmem>>, %arg8: memref<!tpu.dma_semaphore, #tpu.memory_space<semaphore_mem>>, %arg9: memref<!tpu.dma_semaphore, #tpu.memory_space<semaphore_mem>>, %arg10: memref<!tpu.dma_semaphore, #tpu.memory_space<semaphore_mem>>, %arg11: memref<!tpu.dma_semaphore, #tpu.memory_space<semaphore_mem>>) attributes {dimension_semantics = [#tpu.dimension_semantics<core_parallel>, #tpu.dimension_semantics<subcore_parallel>], iteration_bounds = array<i64: 2, 16>, scalar_prefetch = 0 : i64, scratch_operands = 8 : i64, tpu.core_type = #tpu.core_type<sc_vector_subcore>, window_params = [{transform_indices = #map}, {transform_indices = #map}]} {
    %mul3A = arith.constant 2 : i32
    %mul3A_0 = arith.muli %arg1, %mul3A : i32
    %add3A = arith.addi %mul3A_0, %arg0 : i32
    %mul3A_1 = arith.constant 512 : i32
    %mul3A_2 = arith.muli %add3A, %mul3A_1 : i32
    %multiple_of3A = tpu.assume_multiple %mul3A_2, 128 : i32
    %iota3A = tpu.iota {dimensions = array<i32: 0>} : vector<16xi32>
    %add3A_3 = arith.constant 0 : i32
    %add3A_4 = vector.broadcast %add3A_3 : i32 to vector<16xi32>
    %add3A_5 = arith.addi %iota3A, %add3A_4 : vector<16xi32>
    %add3A_6 = arith.constant 16 : i32
    %add3A_7 = vector.broadcast %add3A_6 : i32 to vector<16xi32>
    %add3A_8 = arith.addi %iota3A, %add3A_7 : vector<16xi32>
    %add3A_9 = arith.constant 32 : i32
    %add3A_10 = vector.broadcast %add3A_9 : i32 to vector<16xi32>
    %add3A_11 = arith.addi %iota3A, %add3A_10 : vector<16xi32>
    %add3A_12 = arith.constant 48 : i32
    %add3A_13 = vector.broadcast %add3A_12 : i32 to vector<16xi32>
    %add3A_14 = arith.addi %iota3A, %add3A_13 : vector<16xi32>
    %add3A_15 = arith.constant 64 : i32
    %add3A_16 = vector.broadcast %add3A_15 : i32 to vector<16xi32>
    %add3A_17 = arith.addi %iota3A, %add3A_16 : vector<16xi32>
    %add3A_18 = arith.constant 80 : i32
    %add3A_19 = vector.broadcast %add3A_18 : i32 to vector<16xi32>
    %add3A_20 = arith.addi %iota3A, %add3A_19 : vector<16xi32>
    %add3A_21 = arith.constant 96 : i32
    %add3A_22 = vector.broadcast %add3A_21 : i32 to vector<16xi32>
    %add3A_23 = arith.addi %iota3A, %add3A_22 : vector<16xi32>
    %add3A_24 = arith.constant 112 : i32
    %add3A_25 = vector.broadcast %add3A_24 : i32 to vector<16xi32>
    %add3A_26 = arith.addi %iota3A, %add3A_25 : vector<16xi32>
    %add3A_27 = arith.constant 0 : i32
    %add3A_28 = arith.addi %multiple_of3A, %add3A_27 : i32
    %dma_start3A = arith.constant 0 : i32
    %dma_start3A_29 = tpu.memref_slice %arg2[%add3A_28, %dma_start3A] : memref<16384x256xf32, #tpu.memory_space<hbm>> -> memref<128x256xf32, #tpu.memory_space<hbm>>
    %dma_start3A_30 = arith.constant 0 : i32
    %dma_start3A_31 = tpu.memref_slice %arg2[%add3A_28, %dma_start3A_30] : memref<16384x256xf32, #tpu.memory_space<hbm>> -> memref<128x256xf32, #tpu.memory_space<hbm>>
    tpu.enqueue_dma source(%dma_start3A_31 : memref<128x256xf32, #tpu.memory_space<hbm>>) target(%arg4 : memref<128x256xf32, #tpu.memory_space<vmem>>) target_semaphore(%arg8 : memref<!tpu.dma_semaphore, #tpu.memory_space<semaphore_mem>>)
    %add3A_32 = arith.constant 128 : i32
    %add3A_33 = arith.addi %multiple_of3A, %add3A_32 : i32
    %dma_start3A_34 = arith.constant 0 : i32
    %dma_start3A_35 = tpu.memref_slice %arg2[%add3A_33, %dma_start3A_34] : memref<16384x256xf32, #tpu.memory_space<hbm>> -> memref<128x256xf32, #tpu.memory_space<hbm>>
    %dma_start3A_36 = arith.constant 0 : i32
    %dma_start3A_37 = tpu.memref_slice %arg2[%add3A_33, %dma_start3A_36] : memref<16384x256xf32, #tpu.memory_space<hbm>> -> memref<128x256xf32, #tpu.memory_space<hbm>>
    tpu.enqueue_dma source(%dma_start3A_37 : memref<128x256xf32, #tpu.memory_space<hbm>>) target(%arg5 : memref<128x256xf32, #tpu.memory_space<vmem>>) target_semaphore(%arg9 : memref<!tpu.dma_semaphore, #tpu.memory_space<semaphore_mem>>)
    %dma_wait3A = arith.constant 0 : i32
    %dma_wait3A_38 = tpu.memref_slice %arg2[%add3A_28, %dma_wait3A] : memref<16384x256xf32, #tpu.memory_space<hbm>> -> memref<128x256xf32, #tpu.memory_space<hbm>>
    %dma_wait3A_39 = arith.constant 0 : i32
    %dma_wait3A_40 = tpu.memref_slice %arg2[%add3A_28, %dma_wait3A_39] : memref<16384x256xf32, #tpu.memory_space<hbm>> -> memref<128x256xf32, #tpu.memory_space<hbm>>
    tpu.wait_dma2 semaphore(%arg8 : memref<!tpu.dma_semaphore, #tpu.memory_space<semaphore_mem>>) src(%dma_wait3A_40 : memref<128x256xf32, #tpu.memory_space<hbm>>) dst(%arg4 : memref<128x256xf32, #tpu.memory_space<vmem>>)
    %scan3A = arith.constant 0 : i32
    %scan3A_41 = arith.constant 0 : i32
    %scan3A_42 = arith.constant 64 : i32
    %scan3A_43 = arith.addi %scan3A_41, %scan3A_42 : i32
    %scan3A_44 = arith.constant 1 : i32
    scf.for %scan3A_128 = %scan3A_41 to %scan3A_43 step %scan3A_44  : i32 {
      %add3A_129 = vector.broadcast %scan3A_128 : i32 to vector<16xi32>
      %add3A_130 = arith.addi %iota3A, %add3A_129 : vector<16xi32>
      %ge3A = arith.constant 64 : i32
      %ge3A_131 = vector.broadcast %ge3A : i32 to vector<16xi32>
      %ge3A_132 = arith.cmpi sge, %add3A_130, %ge3A_131 : vector<16xi32>
      %sub3A = arith.constant 64 : i32
      %sub3A_133 = vector.broadcast %sub3A : i32 to vector<16xi32>
      %sub3A_134 = arith.subi %add3A_130, %sub3A_133 : vector<16xi32>
      %select_n3A = arith.select %ge3A_132, %sub3A_134, %add3A_130 : vector<16xi1>, vector<16xi32>
      %mul3A_135 = arith.constant 4 : i32
      %mul3A_136 = vector.broadcast %mul3A_135 : i32 to vector<16xi32>
      %mul3A_137 = arith.muli %select_n3A, %mul3A_136 : vector<16xi32>
      %gather3A = tpu.vector_load_idx %arg4[%add3A_5, %mul3A_137] : memref<128x256xf32, #tpu.memory_space<vmem>>[vector<16xi32>, vector<16xi32>], vector<16xf32>,
      tpu.vector_store_idx %arg6[%select_n3A, %add3A_5], %gather3A : memref<64x128xf32, #tpu.memory_space<vmem>>[vector<16xi32>, vector<16xi32>], vector<16xf32>,
      %gather3A_138 = tpu.vector_load_idx %arg4[%add3A_8, %mul3A_137] : memref<128x256xf32, #tpu.memory_space<vmem>>[vector<16xi32>, vector<16xi32>], vector<16xf32>,
      tpu.vector_store_idx %arg6[%select_n3A, %add3A_8], %gather3A_138 : memref<64x128xf32, #tpu.memory_space<vmem>>[vector<16xi32>, vector<16xi32>], vector<16xf32>,
      %gather3A_139 = tpu.vector_load_idx %arg4[%add3A_11, %mul3A_137] : memref<128x256xf32, #tpu.memory_space<vmem>>[vector<16xi32>, vector<16xi32>], vector<16xf32>,
      tpu.vector_store_idx %arg6[%select_n3A, %add3A_11], %gather3A_139 : memref<64x128xf32, #tpu.memory_space<vmem>>[vector<16xi32>, vector<16xi32>], vector<16xf32>,
      %gather3A_140 = tpu.vector_load_idx %arg4[%add3A_14, %mul3A_137] : memref<128x256xf32, #tpu.memory_space<vmem>>[vector<16xi32>, vector<16xi32>], vector<16xf32>,
      tpu.vector_store_idx %arg6[%select_n3A, %add3A_14], %gather3A_140 : memref<64x128xf32, #tpu.memory_space<vmem>>[vector<16xi32>, vector<16xi32>], vector<16xf32>,
      %gather3A_141 = tpu.vector_load_idx %arg4[%add3A_17, %mul3A_137] : memref<128x256xf32, #tpu.memory_space<vmem>>[vector<16xi32>, vector<16xi32>], vector<16xf32>,
      tpu.vector_store_idx %arg6[%select_n3A, %add3A_17], %gather3A_141 : memref<64x128xf32, #tpu.memory_space<vmem>>[vector<16xi32>, vector<16xi32>], vector<16xf32>,
      %gather3A_142 = tpu.vector_load_idx %arg4[%add3A_20, %mul3A_137] : memref<128x256xf32, #tpu.memory_space<vmem>>[vector<16xi32>, vector<16xi32>], vector<16xf32>,
      tpu.vector_store_idx %arg6[%select_n3A, %add3A_20], %gather3A_142 : memref<64x128xf32, #tpu.memory_space<vmem>>[vector<16xi32>, vector<16xi32>], vector<16xf32>,
      %gather3A_143 = tpu.vector_load_idx %arg4[%add3A_23, %mul3A_137] : memref<128x256xf32, #tpu.memory_space<vmem>>[vector<16xi32>, vector<16xi32>], vector<16xf32>,
      tpu.vector_store_idx %arg6[%select_n3A, %add3A_23], %gather3A_143 : memref<64x128xf32, #tpu.memory_space<vmem>>[vector<16xi32>, vector<16xi32>], vector<16xf32>,
      %gather3A_144 = tpu.vector_load_idx %arg4[%add3A_26, %mul3A_137] : memref<128x256xf32, #tpu.memory_space<vmem>>[vector<16xi32>, vector<16xi32>], vector<16xf32>,
      tpu.vector_store_idx %arg6[%select_n3A, %add3A_26], %gather3A_144 : memref<64x128xf32, #tpu.memory_space<vmem>>[vector<16xi32>, vector<16xi32>], vector<16xf32>,
    }
    %scan3A_45 = arith.constant 64 : i32
    %add3A_46 = arith.constant 0 : i32
    %add3A_47 = arith.addi %multiple_of3A, %add3A_46 : i32
    %dma_start3A_48 = arith.constant 0 : i32
    %dma_start3A_49 = tpu.memref_slice %arg3[%dma_start3A_48, %add3A_47] : memref<64x16384xf32, #tpu.memory_space<hbm>> -> memref<64x128xf32, #tpu.memory_space<hbm>>
    %dma_start3A_50 = arith.constant 0 : i32
    %dma_start3A_51 = tpu.memref_slice %arg3[%dma_start3A_50, %add3A_47] : memref<64x16384xf32, #tpu.memory_space<hbm>> -> memref<64x128xf32, #tpu.memory_space<hbm>>
    tpu.enqueue_dma source(%arg6 : memref<64x128xf32, #tpu.memory_space<vmem>>) target(%dma_start3A_51 : memref<64x128xf32, #tpu.memory_space<hbm>>) target_semaphore(%arg10 : memref<!tpu.dma_semaphore, #tpu.memory_space<semaphore_mem>>)
    %add3A_52 = arith.constant 256 : i32
    %add3A_53 = arith.addi %multiple_of3A, %add3A_52 : i32
    %dma_start3A_54 = arith.constant 0 : i32
    %dma_start3A_55 = tpu.memref_slice %arg2[%add3A_53, %dma_start3A_54] : memref<16384x256xf32, #tpu.memory_space<hbm>> -> memref<128x256xf32, #tpu.memory_space<hbm>>
    %dma_start3A_56 = arith.constant 0 : i32
    %dma_start3A_57 = tpu.memref_slice %arg2[%add3A_53, %dma_start3A_56] : memref<16384x256xf32, #tpu.memory_space<hbm>> -> memref<128x256xf32, #tpu.memory_space<hbm>>
    tpu.enqueue_dma source(%dma_start3A_57 : memref<128x256xf32, #tpu.memory_space<hbm>>) target(%arg4 : memref<128x256xf32, #tpu.memory_space<vmem>>) target_semaphore(%arg8 : memref<!tpu.dma_semaphore, #tpu.memory_space<semaphore_mem>>)
    %dma_wait3A_58 = arith.constant 0 : i32
    %dma_wait3A_59 = tpu.memref_slice %arg2[%add3A_33, %dma_wait3A_58] : memref<16384x256xf32, #tpu.memory_space<hbm>> -> memref<128x256xf32, #tpu.memory_space<hbm>>
    %dma_wait3A_60 = arith.constant 0 : i32
    %dma_wait3A_61 = tpu.memref_slice %arg2[%add3A_33, %dma_wait3A_60] : memref<16384x256xf32, #tpu.memory_space<hbm>> -> memref<128x256xf32, #tpu.memory_space<hbm>>
    tpu.wait_dma2 semaphore(%arg9 : memref<!tpu.dma_semaphore, #tpu.memory_space<semaphore_mem>>) src(%dma_wait3A_61 : memref<128x256xf32, #tpu.memory_space<hbm>>) dst(%arg5 : memref<128x256xf32, #tpu.memory_space<vmem>>)
    %scan3A_62 = arith.constant 0 : i32
    %scan3A_63 = arith.constant 0 : i32
    %scan3A_64 = arith.constant 64 : i32
    %scan3A_65 = arith.addi %scan3A_63, %scan3A_64 : i32
    %scan3A_66 = arith.constant 1 : i32
    scf.for %scan3A_128 = %scan3A_63 to %scan3A_65 step %scan3A_66  : i32 {
      %add3A_129 = vector.broadcast %scan3A_128 : i32 to vector<16xi32>
      %add3A_130 = arith.addi %iota3A, %add3A_129 : vector<16xi32>
      %ge3A = arith.constant 64 : i32
      %ge3A_131 = vector.broadcast %ge3A : i32 to vector<16xi32>
      %ge3A_132 = arith.cmpi sge, %add3A_130, %ge3A_131 : vector<16xi32>
      %sub3A = arith.constant 64 : i32
      %sub3A_133 = vector.broadcast %sub3A : i32 to vector<16xi32>
      %sub3A_134 = arith.subi %add3A_130, %sub3A_133 : vector<16xi32>
      %select_n3A = arith.select %ge3A_132, %sub3A_134, %add3A_130 : vector<16xi1>, vector<16xi32>
      %mul3A_135 = arith.constant 4 : i32
      %mul3A_136 = vector.broadcast %mul3A_135 : i32 to vector<16xi32>
      %mul3A_137 = arith.muli %select_n3A, %mul3A_136 : vector<16xi32>
      %gather3A = tpu.vector_load_idx %arg5[%add3A_5, %mul3A_137] : memref<128x256xf32, #tpu.memory_space<vmem>>[vector<16xi32>, vector<16xi32>], vector<16xf32>,
      tpu.vector_store_idx %arg7[%select_n3A, %add3A_5], %gather3A : memref<64x128xf32, #tpu.memory_space<vmem>>[vector<16xi32>, vector<16xi32>], vector<16xf32>,
      %gather3A_138 = tpu.vector_load_idx %arg5[%add3A_8, %mul3A_137] : memref<128x256xf32, #tpu.memory_space<vmem>>[vector<16xi32>, vector<16xi32>], vector<16xf32>,
      tpu.vector_store_idx %arg7[%select_n3A, %add3A_8], %gather3A_138 : memref<64x128xf32, #tpu.memory_space<vmem>>[vector<16xi32>, vector<16xi32>], vector<16xf32>,
      %gather3A_139 = tpu.vector_load_idx %arg5[%add3A_11, %mul3A_137] : memref<128x256xf32, #tpu.memory_space<vmem>>[vector<16xi32>, vector<16xi32>], vector<16xf32>,
      tpu.vector_store_idx %arg7[%select_n3A, %add3A_11], %gather3A_139 : memref<64x128xf32, #tpu.memory_space<vmem>>[vector<16xi32>, vector<16xi32>], vector<16xf32>,
      %gather3A_140 = tpu.vector_load_idx %arg5[%add3A_14, %mul3A_137] : memref<128x256xf32, #tpu.memory_space<vmem>>[vector<16xi32>, vector<16xi32>], vector<16xf32>,
      tpu.vector_store_idx %arg7[%select_n3A, %add3A_14], %gather3A_140 : memref<64x128xf32, #tpu.memory_space<vmem>>[vector<16xi32>, vector<16xi32>], vector<16xf32>,
      %gather3A_141 = tpu.vector_load_idx %arg5[%add3A_17, %mul3A_137] : memref<128x256xf32, #tpu.memory_space<vmem>>[vector<16xi32>, vector<16xi32>], vector<16xf32>,
      tpu.vector_store_idx %arg7[%select_n3A, %add3A_17], %gather3A_141 : memref<64x128xf32, #tpu.memory_space<vmem>>[vector<16xi32>, vector<16xi32>], vector<16xf32>,
      %gather3A_142 = tpu.vector_load_idx %arg5[%add3A_20, %mul3A_137] : memref<128x256xf32, #tpu.memory_space<vmem>>[vector<16xi32>, vector<16xi32>], vector<16xf32>,
      tpu.vector_store_idx %arg7[%select_n3A, %add3A_20], %gather3A_142 : memref<64x128xf32, #tpu.memory_space<vmem>>[vector<16xi32>, vector<16xi32>], vector<16xf32>,
      %gather3A_143 = tpu.vector_load_idx %arg5[%add3A_23, %mul3A_137] : memref<128x256xf32, #tpu.memory_space<vmem>>[vector<16xi32>, vector<16xi32>], vector<16xf32>,
      tpu.vector_store_idx %arg7[%select_n3A, %add3A_23], %gather3A_143 : memref<64x128xf32, #tpu.memory_space<vmem>>[vector<16xi32>, vector<16xi32>], vector<16xf32>,
      %gather3A_144 = tpu.vector_load_idx %arg5[%add3A_26, %mul3A_137] : memref<128x256xf32, #tpu.memory_space<vmem>>[vector<16xi32>, vector<16xi32>], vector<16xf32>,
      tpu.vector_store_idx %arg7[%select_n3A, %add3A_26], %gather3A_144 : memref<64x128xf32, #tpu.memory_space<vmem>>[vector<16xi32>, vector<16xi32>], vector<16xf32>,
    }
    %scan3A_67 = arith.constant 64 : i32
    %add3A_68 = arith.constant 128 : i32
    %add3A_69 = arith.addi %multiple_of3A, %add3A_68 : i32
    %dma_start3A_70 = arith.constant 0 : i32
    %dma_start3A_71 = tpu.memref_slice %arg3[%dma_start3A_70, %add3A_69] : memref<64x16384xf32, #tpu.memory_space<hbm>> -> memref<64x128xf32, #tpu.memory_space<hbm>>
    %dma_start3A_72 = arith.constant 0 : i32
    %dma_start3A_73 = tpu.memref_slice %arg3[%dma_start3A_72, %add3A_69] : memref<64x16384xf32, #tpu.memory_space<hbm>> -> memref<64x128xf32, #tpu.memory_space<hbm>>
    tpu.enqueue_dma source(%arg7 : memref<64x128xf32, #tpu.memory_space<vmem>>) target(%dma_start3A_73 : memref<64x128xf32, #tpu.memory_space<hbm>>) target_semaphore(%arg11 : memref<!tpu.dma_semaphore, #tpu.memory_space<semaphore_mem>>)
    %add3A_74 = arith.constant 384 : i32
    %add3A_75 = arith.addi %multiple_of3A, %add3A_74 : i32
    %dma_start3A_76 = arith.constant 0 : i32
    %dma_start3A_77 = tpu.memref_slice %arg2[%add3A_75, %dma_start3A_76] : memref<16384x256xf32, #tpu.memory_space<hbm>> -> memref<128x256xf32, #tpu.memory_space<hbm>>
    %dma_start3A_78 = arith.constant 0 : i32
    %dma_start3A_79 = tpu.memref_slice %arg2[%add3A_75, %dma_start3A_78] : memref<16384x256xf32, #tpu.memory_space<hbm>> -> memref<128x256xf32, #tpu.memory_space<hbm>>
    tpu.enqueue_dma source(%dma_start3A_79 : memref<128x256xf32, #tpu.memory_space<hbm>>) target(%arg5 : memref<128x256xf32, #tpu.memory_space<vmem>>) target_semaphore(%arg9 : memref<!tpu.dma_semaphore, #tpu.memory_space<semaphore_mem>>)
    %dma_wait3A_80 = arith.constant 0 : i32
    %dma_wait3A_81 = tpu.memref_slice %arg2[%add3A_53, %dma_wait3A_80] : memref<16384x256xf32, #tpu.memory_space<hbm>> -> memref<128x256xf32, #tpu.memory_space<hbm>>
    %dma_wait3A_82 = arith.constant 0 : i32
    %dma_wait3A_83 = tpu.memref_slice %arg2[%add3A_53, %dma_wait3A_82] : memref<16384x256xf32, #tpu.memory_space<hbm>> -> memref<128x256xf32, #tpu.memory_space<hbm>>
    tpu.wait_dma2 semaphore(%arg8 : memref<!tpu.dma_semaphore, #tpu.memory_space<semaphore_mem>>) src(%dma_wait3A_83 : memref<128x256xf32, #tpu.memory_space<hbm>>) dst(%arg4 : memref<128x256xf32, #tpu.memory_space<vmem>>)
    %dma_wait3A_84 = arith.constant 0 : i32
    %dma_wait3A_85 = tpu.memref_slice %arg3[%dma_wait3A_84, %add3A_47] : memref<64x16384xf32, #tpu.memory_space<hbm>> -> memref<64x128xf32, #tpu.memory_space<hbm>>
    %dma_wait3A_86 = arith.constant 0 : i32
    %dma_wait3A_87 = tpu.memref_slice %arg3[%dma_wait3A_86, %add3A_47] : memref<64x16384xf32, #tpu.memory_space<hbm>> -> memref<64x128xf32, #tpu.memory_space<hbm>>
    tpu.wait_dma2 semaphore(%arg10 : memref<!tpu.dma_semaphore, #tpu.memory_space<semaphore_mem>>) src(%arg6 : memref<64x128xf32, #tpu.memory_space<vmem>>) dst(%dma_wait3A_87 : memref<64x128xf32, #tpu.memory_space<hbm>>)
    %scan3A_88 = arith.constant 0 : i32
    %scan3A_89 = arith.constant 0 : i32
    %scan3A_90 = arith.constant 64 : i32
    %scan3A_91 = arith.addi %scan3A_89, %scan3A_90 : i32
    %scan3A_92 = arith.constant 1 : i32
    scf.for %scan3A_128 = %scan3A_89 to %scan3A_91 step %scan3A_92  : i32 {
      %add3A_129 = vector.broadcast %scan3A_128 : i32 to vector<16xi32>
      %add3A_130 = arith.addi %iota3A, %add3A_129 : vector<16xi32>
      %ge3A = arith.constant 64 : i32
      %ge3A_131 = vector.broadcast %ge3A : i32 to vector<16xi32>
      %ge3A_132 = arith.cmpi sge, %add3A_130, %ge3A_131 : vector<16xi32>
      %sub3A = arith.constant 64 : i32
      %sub3A_133 = vector.broadcast %sub3A : i32 to vector<16xi32>
      %sub3A_134 = arith.subi %add3A_130, %sub3A_133 : vector<16xi32>
      %select_n3A = arith.select %ge3A_132, %sub3A_134, %add3A_130 : vector<16xi1>, vector<16xi32>
      %mul3A_135 = arith.constant 4 : i32
      %mul3A_136 = vector.broadcast %mul3A_135 : i32 to vector<16xi32>
      %mul3A_137 = arith.muli %select_n3A, %mul3A_136 : vector<16xi32>
      %gather3A = tpu.vector_load_idx %arg4[%add3A_5, %mul3A_137] : memref<128x256xf32, #tpu.memory_space<vmem>>[vector<16xi32>, vector<16xi32>], vector<16xf32>,
      tpu.vector_store_idx %arg6[%select_n3A, %add3A_5], %gather3A : memref<64x128xf32, #tpu.memory_space<vmem>>[vector<16xi32>, vector<16xi32>], vector<16xf32>,
      %gather3A_138 = tpu.vector_load_idx %arg4[%add3A_8, %mul3A_137] : memref<128x256xf32, #tpu.memory_space<vmem>>[vector<16xi32>, vector<16xi32>], vector<16xf32>,
      tpu.vector_store_idx %arg6[%select_n3A, %add3A_8], %gather3A_138 : memref<64x128xf32, #tpu.memory_space<vmem>>[vector<16xi32>, vector<16xi32>], vector<16xf32>,
      %gather3A_139 = tpu.vector_load_idx %arg4[%add3A_11, %mul3A_137] : memref<128x256xf32, #tpu.memory_space<vmem>>[vector<16xi32>, vector<16xi32>], vector<16xf32>,
      tpu.vector_store_idx %arg6[%select_n3A, %add3A_11], %gather3A_139 : memref<64x128xf32, #tpu.memory_space<vmem>>[vector<16xi32>, vector<16xi32>], vector<16xf32>,
      %gather3A_140 = tpu.vector_load_idx %arg4[%add3A_14, %mul3A_137] : memref<128x256xf32, #tpu.memory_space<vmem>>[vector<16xi32>, vector<16xi32>], vector<16xf32>,
      tpu.vector_store_idx %arg6[%select_n3A, %add3A_14], %gather3A_140 : memref<64x128xf32, #tpu.memory_space<vmem>>[vector<16xi32>, vector<16xi32>], vector<16xf32>,
      %gather3A_141 = tpu.vector_load_idx %arg4[%add3A_17, %mul3A_137] : memref<128x256xf32, #tpu.memory_space<vmem>>[vector<16xi32>, vector<16xi32>], vector<16xf32>,
      tpu.vector_store_idx %arg6[%select_n3A, %add3A_17], %gather3A_141 : memref<64x128xf32, #tpu.memory_space<vmem>>[vector<16xi32>, vector<16xi32>], vector<16xf32>,
      %gather3A_142 = tpu.vector_load_idx %arg4[%add3A_20, %mul3A_137] : memref<128x256xf32, #tpu.memory_space<vmem>>[vector<16xi32>, vector<16xi32>], vector<16xf32>,
      tpu.vector_store_idx %arg6[%select_n3A, %add3A_20], %gather3A_142 : memref<64x128xf32, #tpu.memory_space<vmem>>[vector<16xi32>, vector<16xi32>], vector<16xf32>,
      %gather3A_143 = tpu.vector_load_idx %arg4[%add3A_23, %mul3A_137] : memref<128x256xf32, #tpu.memory_space<vmem>>[vector<16xi32>, vector<16xi32>], vector<16xf32>,
      tpu.vector_store_idx %arg6[%select_n3A, %add3A_23], %gather3A_143 : memref<64x128xf32, #tpu.memory_space<vmem>>[vector<16xi32>, vector<16xi32>], vector<16xf32>,
      %gather3A_144 = tpu.vector_load_idx %arg4[%add3A_26, %mul3A_137] : memref<128x256xf32, #tpu.memory_space<vmem>>[vector<16xi32>, vector<16xi32>], vector<16xf32>,
      tpu.vector_store_idx %arg6[%select_n3A, %add3A_26], %gather3A_144 : memref<64x128xf32, #tpu.memory_space<vmem>>[vector<16xi32>, vector<16xi32>], vector<16xf32>,
    }
    %scan3A_93 = arith.constant 64 : i32
    %add3A_94 = arith.constant 256 : i32
    %add3A_95 = arith.addi %multiple_of3A, %add3A_94 : i32
    %dma_start3A_96 = arith.constant 0 : i32
    %dma_start3A_97 = tpu.memref_slice %arg3[%dma_start3A_96, %add3A_95] : memref<64x16384xf32, #tpu.memory_space<hbm>> -> memref<64x128xf32, #tpu.memory_space<hbm>>
    %dma_start3A_98 = arith.constant 0 : i32
    %dma_start3A_99 = tpu.memref_slice %arg3[%dma_start3A_98, %add3A_95] : memref<64x16384xf32, #tpu.memory_space<hbm>> -> memref<64x128xf32, #tpu.memory_space<hbm>>
    tpu.enqueue_dma source(%arg6 : memref<64x128xf32, #tpu.memory_space<vmem>>) target(%dma_start3A_99 : memref<64x128xf32, #tpu.memory_space<hbm>>) target_semaphore(%arg10 : memref<!tpu.dma_semaphore, #tpu.memory_space<semaphore_mem>>)
    %dma_wait3A_100 = arith.constant 0 : i32
    %dma_wait3A_101 = tpu.memref_slice %arg2[%add3A_75, %dma_wait3A_100] : memref<16384x256xf32, #tpu.memory_space<hbm>> -> memref<128x256xf32, #tpu.memory_space<hbm>>
    %dma_wait3A_102 = arith.constant 0 : i32
    %dma_wait3A_103 = tpu.memref_slice %arg2[%add3A_75, %dma_wait3A_102] : memref<16384x256xf32, #tpu.memory_space<hbm>> -> memref<128x256xf32, #tpu.memory_space<hbm>>
    tpu.wait_dma2 semaphore(%arg9 : memref<!tpu.dma_semaphore, #tpu.memory_space<semaphore_mem>>) src(%dma_wait3A_103 : memref<128x256xf32, #tpu.memory_space<hbm>>) dst(%arg5 : memref<128x256xf32, #tpu.memory_space<vmem>>)
    %dma_wait3A_104 = arith.constant 0 : i32
    %dma_wait3A_105 = tpu.memref_slice %arg3[%dma_wait3A_104, %add3A_69] : memref<64x16384xf32, #tpu.memory_space<hbm>> -> memref<64x128xf32, #tpu.memory_space<hbm>>
    %dma_wait3A_106 = arith.constant 0 : i32
    %dma_wait3A_107 = tpu.memref_slice %arg3[%dma_wait3A_106, %add3A_69] : memref<64x16384xf32, #tpu.memory_space<hbm>> -> memref<64x128xf32, #tpu.memory_space<hbm>>
    tpu.wait_dma2 semaphore(%arg11 : memref<!tpu.dma_semaphore, #tpu.memory_space<semaphore_mem>>) src(%arg7 : memref<64x128xf32, #tpu.memory_space<vmem>>) dst(%dma_wait3A_107 : memref<64x128xf32, #tpu.memory_space<hbm>>)
    %scan3A_108 = arith.constant 0 : i32
    %scan3A_109 = arith.constant 0 : i32
    %scan3A_110 = arith.constant 64 : i32
    %scan3A_111 = arith.addi %scan3A_109, %scan3A_110 : i32
    %scan3A_112 = arith.constant 1 : i32
    scf.for %scan3A_128 = %scan3A_109 to %scan3A_111 step %scan3A_112  : i32 {
      %add3A_129 = vector.broadcast %scan3A_128 : i32 to vector<16xi32>
      %add3A_130 = arith.addi %iota3A, %add3A_129 : vector<16xi32>
      %ge3A = arith.constant 64 : i32
      %ge3A_131 = vector.broadcast %ge3A : i32 to vector<16xi32>
      %ge3A_132 = arith.cmpi sge, %add3A_130, %ge3A_131 : vector<16xi32>
      %sub3A = arith.constant 64 : i32
      %sub3A_133 = vector.broadcast %sub3A : i32 to vector<16xi32>
      %sub3A_134 = arith.subi %add3A_130, %sub3A_133 : vector<16xi32>
      %select_n3A = arith.select %ge3A_132, %sub3A_134, %add3A_130 : vector<16xi1>, vector<16xi32>
      %mul3A_135 = arith.constant 4 : i32
      %mul3A_136 = vector.broadcast %mul3A_135 : i32 to vector<16xi32>
      %mul3A_137 = arith.muli %select_n3A, %mul3A_136 : vector<16xi32>
      %gather3A = tpu.vector_load_idx %arg5[%add3A_5, %mul3A_137] : memref<128x256xf32, #tpu.memory_space<vmem>>[vector<16xi32>, vector<16xi32>], vector<16xf32>,
      tpu.vector_store_idx %arg7[%select_n3A, %add3A_5], %gather3A : memref<64x128xf32, #tpu.memory_space<vmem>>[vector<16xi32>, vector<16xi32>], vector<16xf32>,
      %gather3A_138 = tpu.vector_load_idx %arg5[%add3A_8, %mul3A_137] : memref<128x256xf32, #tpu.memory_space<vmem>>[vector<16xi32>, vector<16xi32>], vector<16xf32>,
      tpu.vector_store_idx %arg7[%select_n3A, %add3A_8], %gather3A_138 : memref<64x128xf32, #tpu.memory_space<vmem>>[vector<16xi32>, vector<16xi32>], vector<16xf32>,
      %gather3A_139 = tpu.vector_load_idx %arg5[%add3A_11, %mul3A_137] : memref<128x256xf32, #tpu.memory_space<vmem>>[vector<16xi32>, vector<16xi32>], vector<16xf32>,
      tpu.vector_store_idx %arg7[%select_n3A, %add3A_11], %gather3A_139 : memref<64x128xf32, #tpu.memory_space<vmem>>[vector<16xi32>, vector<16xi32>], vector<16xf32>,
      %gather3A_140 = tpu.vector_load_idx %arg5[%add3A_14, %mul3A_137] : memref<128x256xf32, #tpu.memory_space<vmem>>[vector<16xi32>, vector<16xi32>], vector<16xf32>,
      tpu.vector_store_idx %arg7[%select_n3A, %add3A_14], %gather3A_140 : memref<64x128xf32, #tpu.memory_space<vmem>>[vector<16xi32>, vector<16xi32>], vector<16xf32>,
      %gather3A_141 = tpu.vector_load_idx %arg5[%add3A_17, %mul3A_137] : memref<128x256xf32, #tpu.memory_space<vmem>>[vector<16xi32>, vector<16xi32>], vector<16xf32>,
      tpu.vector_store_idx %arg7[%select_n3A, %add3A_17], %gather3A_141 : memref<64x128xf32, #tpu.memory_space<vmem>>[vector<16xi32>, vector<16xi32>], vector<16xf32>,
      %gather3A_142 = tpu.vector_load_idx %arg5[%add3A_20, %mul3A_137] : memref<128x256xf32, #tpu.memory_space<vmem>>[vector<16xi32>, vector<16xi32>], vector<16xf32>,
      tpu.vector_store_idx %arg7[%select_n3A, %add3A_20], %gather3A_142 : memref<64x128xf32, #tpu.memory_space<vmem>>[vector<16xi32>, vector<16xi32>], vector<16xf32>,
      %gather3A_143 = tpu.vector_load_idx %arg5[%add3A_23, %mul3A_137] : memref<128x256xf32, #tpu.memory_space<vmem>>[vector<16xi32>, vector<16xi32>], vector<16xf32>,
      tpu.vector_store_idx %arg7[%select_n3A, %add3A_23], %gather3A_143 : memref<64x128xf32, #tpu.memory_space<vmem>>[vector<16xi32>, vector<16xi32>], vector<16xf32>,
      %gather3A_144 = tpu.vector_load_idx %arg5[%add3A_26, %mul3A_137] : memref<128x256xf32, #tpu.memory_space<vmem>>[vector<16xi32>, vector<16xi32>], vector<16xf32>,
      tpu.vector_store_idx %arg7[%select_n3A, %add3A_26], %gather3A_144 : memref<64x128xf32, #tpu.memory_space<vmem>>[vector<16xi32>, vector<16xi32>], vector<16xf32>,
    }
    %scan3A_113 = arith.constant 64 : i32
    %add3A_114 = arith.constant 384 : i32
    %add3A_115 = arith.addi %multiple_of3A, %add3A_114 : i32
    %dma_start3A_116 = arith.constant 0 : i32
    %dma_start3A_117 = tpu.memref_slice %arg3[%dma_start3A_116, %add3A_115] : memref<64x16384xf32, #tpu.memory_space<hbm>> -> memref<64x128xf32, #tpu.memory_space<hbm>>
    %dma_start3A_118 = arith.constant 0 : i32
    %dma_start3A_119 = tpu.memref_slice %arg3[%dma_start3A_118, %add3A_115] : memref<64x16384xf32, #tpu.memory_space<hbm>> -> memref<64x128xf32, #tpu.memory_space<hbm>>
    tpu.enqueue_dma source(%arg7 : memref<64x128xf32, #tpu.memory_space<vmem>>) target(%dma_start3A_119 : memref<64x128xf32, #tpu.memory_space<hbm>>) target_semaphore(%arg11 : memref<!tpu.dma_semaphore, #tpu.memory_space<semaphore_mem>>)
    %dma_wait3A_120 = arith.constant 0 : i32
    %dma_wait3A_121 = tpu.memref_slice %arg3[%dma_wait3A_120, %add3A_95] : memref<64x16384xf32, #tpu.memory_space<hbm>> -> memref<64x128xf32, #tpu.memory_space<hbm>>
    %dma_wait3A_122 = arith.constant 0 : i32
    %dma_wait3A_123 = tpu.memref_slice %arg3[%dma_wait3A_122, %add3A_95] : memref<64x16384xf32, #tpu.memory_space<hbm>> -> memref<64x128xf32, #tpu.memory_space<hbm>>
    tpu.wait_dma2 semaphore(%arg10 : memref<!tpu.dma_semaphore, #tpu.memory_space<semaphore_mem>>) src(%arg6 : memref<64x128xf32, #tpu.memory_space<vmem>>) dst(%dma_wait3A_123 : memref<64x128xf32, #tpu.memory_space<hbm>>)
    %dma_wait3A_124 = arith.constant 0 : i32
    %dma_wait3A_125 = tpu.memref_slice %arg3[%dma_wait3A_124, %add3A_115] : memref<64x16384xf32, #tpu.memory_space<hbm>> -> memref<64x128xf32, #tpu.memory_space<hbm>>
    %dma_wait3A_126 = arith.constant 0 : i32
    %dma_wait3A_127 = tpu.memref_slice %arg3[%dma_wait3A_126, %add3A_115] : memref<64x16384xf32, #tpu.memory_space<hbm>> -> memref<64x128xf32, #tpu.memory_space<hbm>>
    tpu.wait_dma2 semaphore(%arg11 : memref<!tpu.dma_semaphore, #tpu.memory_space<semaphore_mem>>) src(%arg7 : memref<64x128xf32, #tpu.memory_space<vmem>>) dst(%dma_wait3A_127 : memref<64x128xf32, #tpu.memory_space<hbm>>)
    return
  }
}

</mosaic_0001>

<sc_bundles>
// kernel: kernel.3.cloned.1.call-start
scs
__scs_entry_jumppad:
0x0: {  	(pc) =	sbr.rel $0x88, $3  }
0x1: {  	(tag) =	ssettag $0x0;
	lr =	simm.s32 $0x1  }
0x2: {  	[smem:$0x3FA0] =	sst lr;
	_ =	strace $0xD0000000  }
0x3: {  	_ = 	snop  }
0x4: {  	_ = 	snop  }
0x5: {  	_ = 	snop  }
0x6: {  	_ = 	snop  }
0x7: {  	_ = 	snop  }
__scs_overlays_trampoline_lowered:
0x8: {  	[smem:$0x3FAF] =	sst s0  }
0x9: {  	[smem:$0x3FB0] =	sst s1  }
0xa: {  	[smem:$0x3FB1] =	sst s2  }
0xb: {  	[smem:$0x3FB2] =	sst s3  }
0xc: {  	[smem:$0x3FB3] =	sst s4  }
0xd: {  	[smem:$0x3FB4] =	sst s5  }
0xe: {  	[smem:$0x3FB5] =	sst s6  }
0xf: {  	[smem:$0x3FB6] =	sst s7  }
0x10: {  	[smem:$0x3FB7] =	sst s8  }
0x11: {  	[smem:$0x3FB8] =	sst s9;
	s0 =	simm.s32 @!p0 $0x0  }
0x12: {  	s1 =	sld [smem:$0x3F9E];
	s0 =	simm.s32 @p0 $0x1  }
0x13: {  	[smem:$0x3FB9] =	sst s0;
	s0 =	simm.s32 @!p1 $0x0  }
0x14: {  	s2 =	sld [smem:$0x3F9D];
	s0 =	simm.s32 @p1 $0x1  }
0x15: {  	[smem:$0x3FBA] =	sst s0;
	s0 =	simm.s32 @!p2 $0x0  }
0x16: {  	s3 =	sld [smem:$0x3FDB];
	s0 =	simm.s32 @p2 $0x1  }
0x17: {  	s4 =	simm.s32 $0x1BF5;
	[smem:$0x3FBC] =	sst s0  }
0x18: {  	s0 =	sld [smem:$0x3F9F];
	_ =	swait.ge [sflag:s4], $0x0  }
0x19: {  	s7 =	sld [smem:$0x3FA0]  }
0x1a: {  	s8 =	sadd.s32 $0xFFFFE003, lr  }
0x1b: {  	s9 =	sadd.s32 $0xFFFFFEF7, lr;
	s5 =	simm.s32 $0xFFFFFFFF;
	p2 =	slt.u32 s8, $0xFFFFF086  }
0x1c: {  	p1 =	slt.u32 s9, $0xF7A;
	s5 =	simm.s32 @!p2 $0x0  }
0x1d: {  	s5 =	simm.s32 @p1 $0x1;
	p0 =	seq.s32 s7, s2  }
0x1e: {  	s7 =	smul.u32 @!p0 $0xF7A, s2;
	p2 =	seq.s32 @!p0 s5, $0x0  }
0x1f: {  	s9 =	smul.u32 $0xF7A, s1;
	s8 =	simm.s32 @!p0 $0x1BF5;
	p2 =	por !p2, p0  }
0x20: {  	[sflag:s8] =	ssyncset.s32 @!p0 $0xFFFFF086;
	s6 =	sadd.s32 @!p0 s3, s7;
	s7 =	simm.s32 @!p0 $0x108  }
0x21: {  	s3 =	sadd.s32 s3, s9;
	s6 =	sadd.s32 @!p0 $0x88, s6;
	s7 =	simm.s32 @p2 $0x1082  }
0x22: {  	[simem:s7], [sflag:s8] =	dma.local @!p0 [hbm:s6], $0xF7A  }
0x23: {  	s9 =	sor.u32 $0xD0000000, s2;
	s6 =	simm.s32 $0x108;
	_ =	swait.ge @!p0 [sflag:s8], $0x0  }
0x24: {  	s3 =	sadd.s32 $0x88, s3;
	s6 =	simm.s32 @!p1 $0x1082;
	[sflag:s4] =	ssyncset.s32 $0xFFFFF086  }
0x25: {  	[simem:s6], [sflag:s4] =	dma.local [hbm:s3], $0xF7A  }
0x26: {  	[smem:$0x3FA0] =	sst s1;
	(tag) =	ssettag s2;
	_ =	strace s9  }
0x27: {  	s1 =	sld [smem:$0x3FB0]  }
0x28: {  	s2 =	sld [smem:$0x3FB1]  }
0x29: {  	s4 =	sld [smem:$0x3FB3]  }
0x2a: {  	p0 =	seq.s32 s5, $0x0;
	s5 =	sld [smem:$0x3FB4]  }
0x2b: {  	s6 =	sld [smem:$0x3FB5]  }
0x2c: {  	s7 =	sld [smem:$0x3FB6]  }
0x2d: {  	s3 =	simm.s32 $0x108;
	s8 =	sld [smem:$0x3FB7]  }
0x2e: {  	s3 =	simm.s32 @!p0 $0x1082;
	s9 =	sld [smem:$0x3FB8]  }
0x2f: {  	lr =	sadd.s32 s0, s3;
	s0 =	sld [smem:$0x3FAF]  }
0x30: {  	s3 =	sld [smem:$0x3FB2]  }
0x31: {  	[smem:$0x3FBB] =	sst s10  }
0x32: {  	s10 =	sld [smem:$0x3FB9];
	_ =	sdelay $0x3  }
0x33: {  	p0 =	seq.s32 s10, $0x1;
	s10 =	sld [smem:$0x3FBB];
	_ =	sdelay $0x3  }
0x34: {  	[smem:$0x3FBB] =	sst s10  }
0x35: {  	s10 =	sld [smem:$0x3FBA];
	_ =	sdelay $0x3  }
0x36: {  	p1 =	seq.s32 s10, $0x1;
	s10 =	sld [smem:$0x3FBB];
	_ =	sdelay $0x3  }
0x37: {  	[smem:$0x3FBB] =	sst s10  }
0x38: {  	s10 =	sld [smem:$0x3FBC]  }
0x39: {  	_ = 	snop;
	(pc) =	sbr.ind lr, $3  }
0x3a: {  	_ = 	snop  }
0x3b: {  	_ = 	snop  }
0x3c: {  	p2 =	seq.s32 s10, $0x1;
	s10 =	sld [smem:$0x3FBB]  }
0x3d: {  	_ =	shalt  }
0x3e: {  	_ =	shalt  }
0x3f: {  	_ =	shalt  }
0x40: {  	_ =	shalt  }
0x41: {  	_ =	shalt  }
0x42: {  	_ =	shalt  }
0x43: {  	_ =	shalt  }
0x44: {  	_ =	shalt  }
0x45: {  	_ =	shalt  }
0x46: {  	_ =	shalt  }
0x47: {  	_ =	shalt  }
0x48: {  	_ =	shalt  }
0x49: {  	_ =	shalt  }
0x4a: {  	_ =	shalt  }
0x4b: {  	_ =	shalt  }
0x4c: {  	_ =	shalt  }
0x4d: {  	_ =	shalt  }
0x4e: {  	_ =	shalt  }
0x4f: {  	_ =	shalt  }
0x50: {  	_ =	shalt  }
0x51: {  	_ =	shalt  }
0x52: {  	_ =	shalt  }
0x53: {  	_ =	shalt  }
0x54: {  	_ =	shalt  }
0x55: {  	_ =	shalt  }
0x56: {  	_ =	shalt  }
0x57: {  	_ =	shalt  }
0x58: {  	_ =	shalt  }
0x59: {  	_ =	shalt  }
0x5a: {  	_ =	shalt  }
0x5b: {  	_ =	shalt  }
0x5c: {  	_ =	shalt  }
0x5d: {  	_ =	shalt  }
0x5e: {  	_ =	shalt  }
0x5f: {  	_ =	shalt  }
0x60: {  	_ =	shalt  }
0x61: {  	_ =	shalt  }
0x62: {  	_ =	shalt  }
0x63: {  	_ =	shalt  }
0x64: {  	_ =	shalt  }
0x65: {  	_ =	shalt  }
0x66: {  	_ =	shalt  }
0x67: {  	_ =	shalt  }
0x68: {  	_ =	shalt  }
0x69: {  	_ =	shalt  }
0x6a: {  	_ =	shalt  }
0x6b: {  	_ =	shalt  }
0x6c: {  	_ =	shalt  }
0x6d: {  	_ =	shalt  }
0x6e: {  	_ =	shalt  }
0x6f: {  	_ =	shalt  }
0x70: {  	_ =	shalt  }
0x71: {  	_ =	shalt  }
0x72: {  	_ =	shalt  }
0x73: {  	_ =	shalt  }
0x74: {  	_ =	shalt  }
0x75: {  	_ =	shalt  }
0x76: {  	_ =	shalt  }
0x77: {  	_ =	shalt  }
0x78: {  	_ =	shalt  }
0x79: {  	_ =	shalt  }
0x7a: {  	_ =	shalt  }
0x7b: {  	_ =	shalt  }
0x7c: {  	_ =	shalt  }
0x7d: {  	_ =	shalt  }
0x7e: {  	_ =	shalt  }
0x7f: {  	_ =	shalt  }
0x80: {  	_ =	shalt  }
0x81: {  	_ =	shalt  }
0x82: {  	_ =	shalt  }
0x83: {  	_ =	shalt  }
0x84: {  	_ =	shalt  }
0x85: {  	_ =	shalt  }
0x86: {  	_ =	shalt  }
0x87: {  	_ =	shalt  }
.Lfunc_end0:
.L_simem_size_0:
called_computation_lowered:
.L_overlay_start_0:
0x88: {  	s2 =	sld [smem:$0x3FD9]  }
0x89: {  	s3 =	sld [smem:$0x3FFE];
	_ =	sdelay $0x1  }
0x8a: {  	s1 =	srdreg.scid  }
0x8b: {  	s0 =	sand.u32 $0x1, s1  }
0x8c: {  	s18 =	sshll.u32 s0, $0xA;
	s2 =	sadd.s32 s3, s2  }
0x8d: {  	s2 =	sadd.s32 s2, s18  }
0x8e: {  	[smem:$0x3FC7] =	sst s2  }
0x8f: {  	_ = 	snop  }
0x90: {  	s2 =	sld [smem:$0x3FC9]  }
0x91: {  	s19 =	sld [smem:$0x3FD0];
	(tm) =	ssettm $0x1  }
0x92: {  	s4 =	sld [smem:$0x3FFB];
	_ =	sdelay $0x3  }
0x93: {  	_ =	strace s4  }
0x94: {  	s4 =	sld [smem:$0x3FFC];
	_ =	sdelay $0x3  }
0x95: {  	_ =	strace s4  }
0x96: {  	s4 =	sld [smem:$0x3FFD];
	_ =	sdelay $0x3  }
0x97: {  	_ =	strace s4  }
0x98: {  	_ =	strace $0x8FFFFFFF  }
0x99: {  	s20 =	sld [smem:$0x3FDB];
	_ =	sdelay $0x1  }
0x9a: {  	s5 =	simm.s32 $_scs_section_size  }
0x9b: {  	s6 =	simm.s32 $_size__tile_overlayer_lowered;
	s7 =	simm.s32 $_tile_overlayer_lowered  }
0x9c: {  	s23 =	simm.s32 $0x1BFF;
	s22 =	sshll.u32 s7, $0x1;
	s4 =	sadd.s32 s5, s20  }
0x9d: {  	s8 =	simm.s32 $0x0;
	s21 =	sshll.u32 s6, $0x1;
	s6 =	sadd.s32 s22, s4  }
0x9e: {  	[timem:s8], [sflag:s23] =	dma.local [hbm:s6], s21  }
0x9f: {  	_ =	swait.ge [sflag:s23], s21  }
0xa0: {  	s5 =	ssub.s32 $0x0, s21;
	[sflag:s23] =	ssyncset.done $0x0  }
0xa1: {  	[sflag:s23] =	ssyncadd.s32 s5;
	_ =	sdelay $0x1  }
0xa2: {  	s24 =	simm.s32 $0x1B8B  }
0xa3: {  	_ =	swait.ge [sflag:s24], $0x1  }
0xa4: {  	[sflag:s24] =	ssyncset.done $0x0  }
0xa5: {  	s25 =	simm.s32 $0x1B8E;
	[sflag:s24] =	ssyncadd.s32 $0xFFFFFFFF  }
0xa6: {  	s26 =	simm.s32 $execute0_lowered;
	[smem:$0x3FD2] =	sst s25  }
0xa7: {  	s5 =	sshll.u32 s26, $0x1;
	_ =	strace $0x80000046;
	[dreg:$0x1] =	wrdreg $0xFFFFFFFF  }
0xa8: {  	s28 =	simm.s32 $_size_execute0_lowered;
	s4 =	sadd.s32 s4, s5;
	[dreg:$0x0] =	wrdreg $0x0  }
0xa9: {  	s5 =	sshll.u32 s28, $0x1;
	[dreg:$0x2] =	wrdreg s4  }
0xaa: {  	[dreg:$0x3] =	wrdreg s5  }
0xab: {  	[dreg:$0x4] =	wrdreg $0xC0  }
0xac: {  	_ =	task [dreg:s8], $0x5FFFF  }
0xad: {  	[dreg:$0x1] =	wrdreg $0xFFFFFFFF  }
0xae: {  	[dreg:$0x0] =	wrdreg $0x60  }
0xaf: {  	[dreg:$0x2] =	wrdreg s2  }
0xb0: {  	[dreg:$0x3] =	wrdreg s19  }
0xb1: {  	[dreg:$0x4] =	wrdreg $0x9  }
0xb2: {  	_ =	task.clear_ibuf [dreg:s8], $0x5FFFF;
	_ =	strace $0x90000046  }
0xb3: {  	s29 =	simm.s32 $0x9;
	_ =	strace $0x80000048  }
0xb4: {  	_ =	swait.ge [sflag:s29], $0x1  }
0xb5: {  	[sflag:s29] =	ssyncadd.s32 $0xFFFFFFFF  }
0xb6: {  	_ =	strace $0x90000048  }
0xb7: {  	_ =	sfence  }
0xb8: {  	s30 =	sld [smem:$0x0];
	_ =	sdelay $0x2  }
0xb9: {  	s31 =	sshll.u32 s1, $0xD;
	s1 =	sshrl.u32 s1, $0x2  }
0xba: {  	s3 =	sand.u32 $0x4000, s31;
	s1 =	sadd.s32 s1, s30  }
0xbb: {  	s0 =	sor.u32 s3, s0;
	s1 =	sshll.u32 s1, $0x11  }
0xbc: {  	s0 =	sor.u32 s1, s0  }
0xbd: {  	s0 =	sadd.s32 $0x8F2B, s0  }
0xbe: {  	[sflag:s0] =	ssyncadd.remote.s32 $0x1  }
0xbf: {  	_ =	sfence.sel $0xFFFF  }
0xc0: {  	[dreg:$0x0] =	wrdreg $0xFFFFFFFF;
	(pc) =	sbr.abs _section_cstart, $3  }
0xc1: {  	[dreg:$0x1] =	wrdreg $0xFFFFFFFF  }
0xc2: {  	_ =	task.clear_ibuf [dreg:s8], $0x2FFFF;
	_ =	strace $0x9FFFFFFF  }
0xc3: {  	(tm) =	ssettm $0x7FFFFFFF  }
tec
execute0_lowered:
.L_overlay_start_1:
0x0: {  	(tag) =	ssettag $0x1  }
0x1: {  	v0 =	vlaneseq.u32;
	v2 =	vimm.s32 $0xB80  }
0x2: {  	vm14 =	vcmask $0x300;
	v3 =	vimm.s32 $0x1B80;
	vm13 =	vcmask $0x704  }
0x3: {  	vm12 =	vcmask $0xB08;
	vm11 =	vcmask $0xF0C;
	vm10 =	vcmask $0x1310  }
0x4: {  	vm9 =	vcmask $0x1714;
	vm8 =	vcmask $0x1B18;
	vm7 =	vcmask $0x1F1C  }
0x5: {  	vm6 =	vcmask $0x2320;
	vm5 =	vcmask $0x2724;
	vm4 =	vcmask $0x2B28  }
0x6: {  	vm3 =	vcmask $0x2F2C;
	vm2 =	vcmask $0x3330;
	vm1 =	vcmask $0x3734  }
0x7: {  	vm0 =	vcmask $0x3B38;
	v5 =	vimm.s32 $0x2B80;
	v6 =	vimm.s32 $0x3B80  }
0x8: {  	v7 =	vimm.s32 $0x4B80;
	v11 =	vimm.s32 $0x5B80;
	v12 =	vimm.s32 $0x6B80  }
0x9: {  	v13 =	vimm.s32 $0x7B80;
	v1 =	vor.u32 $0xFFFFFFC0, v0;
	v2 =	vsel vm14, $0x0, v2  }
0xa: {  	v3 =	vsel vm14, $0x1000, v3;
	v4 =	vor.u32 $0x10, v0;
	v5 =	vsel vm14, $0x2000, v5  }
0xb: {  	v6 =	vsel vm14, $0x3000, v6;
	v7 =	vsel vm14, $0x4000, v7;
	v10 =	vor.u32 $0x40, v0  }
0xc: {  	v11 =	vsel vm14, $0x5000, v11;
	v12 =	vsel vm14, $0x6000, v12;
	v13 =	vsel vm14, $0x7000, v13  }
0xd: {  	v16 =	vor.u32 $0x70, v0;
	v2 =	vsel vm13, $0x80, v2;
	v3 =	vsel vm13, $0x1080, v3  }
0xe: {  	v5 =	vsel vm13, $0x2080, v5;
	v6 =	vsel vm13, $0x3080, v6;
	v7 =	vsel vm13, $0x4080, v7  }
0xf: {  	v11 =	vsel vm13, $0x5080, v11;
	v12 =	vsel vm13, $0x6080, v12;
	v13 =	vsel vm13, $0x7080, v13  }
0x10: {  	v2 =	vsel vm12, $0x100, v2;
	v3 =	vsel vm12, $0x1100, v3;
	v5 =	vsel vm12, $0x2100, v5  }
0x11: {  	v6 =	vsel vm12, $0x3100, v6;
	v7 =	vsel vm12, $0x4100, v7;
	v11 =	vsel vm12, $0x5100, v11  }
0x12: {  	v12 =	vsel vm12, $0x6100, v12;
	v13 =	vsel vm12, $0x7100, v13;
	v2 =	vsel vm11, $0x180, v2  }
0x13: {  	v3 =	vsel vm11, $0x1180, v3;
	v5 =	vsel vm11, $0x2180, v5;
	v6 =	vsel vm11, $0x3180, v6  }
0x14: {  	v7 =	vsel vm11, $0x4180, v7;
	v11 =	vsel vm11, $0x5180, v11;
	v12 =	vsel vm11, $0x6180, v12  }
0x15: {  	v13 =	vsel vm11, $0x7180, v13;
	v2 =	vsel vm10, $0x200, v2;
	v3 =	vsel vm10, $0x1200, v3  }
0x16: {  	v5 =	vsel vm10, $0x2200, v5;
	v6 =	vsel vm10, $0x3200, v6;
	v7 =	vsel vm10, $0x4200, v7  }
0x17: {  	v11 =	vsel vm10, $0x5200, v11;
	v12 =	vsel vm10, $0x6200, v12;
	v13 =	vsel vm10, $0x7200, v13  }
0x18: {  	v2 =	vsel vm9, $0x280, v2;
	v3 =	vsel vm9, $0x1280, v3;
	v5 =	vsel vm9, $0x2280, v5  }
0x19: {  	v6 =	vsel vm9, $0x3280, v6;
	v7 =	vsel vm9, $0x4280, v7;
	v11 =	vsel vm9, $0x5280, v11  }
0x1a: {  	v12 =	vsel vm9, $0x6280, v12;
	v13 =	vsel vm9, $0x7280, v13;
	v2 =	vsel vm8, $0x300, v2  }
0x1b: {  	v3 =	vsel vm8, $0x1300, v3;
	v5 =	vsel vm8, $0x2300, v5;
	v6 =	vsel vm8, $0x3300, v6  }
0x1c: {  	v7 =	vsel vm8, $0x4300, v7;
	v11 =	vsel vm8, $0x5300, v11;
	v12 =	vsel vm8, $0x6300, v12  }
0x1d: {  	v13 =	vsel vm8, $0x7300, v13;
	v2 =	vsel vm7, $0x380, v2;
	v3 =	vsel vm7, $0x1380, v3  }
0x1e: {  	v5 =	vsel vm7, $0x2380, v5;
	v6 =	vsel vm7, $0x3380, v6;
	v7 =	vsel vm7, $0x4380, v7  }
0x1f: {  	v11 =	vsel vm7, $0x5380, v11;
	v12 =	vsel vm7, $0x6380, v12;
	v13 =	vsel vm7, $0x7380, v13  }
0x20: {  	v2 =	vsel vm6, $0x800, v2;
	v3 =	vsel vm6, $0x1800, v3;
	v5 =	vsel vm6, $0x2800, v5  }
0x21: {  	v6 =	vsel vm6, $0x3800, v6;
	v7 =	vsel vm6, $0x4800, v7;
	v11 =	vsel vm6, $0x5800, v11  }
0x22: {  	v12 =	vsel vm6, $0x6800, v12;
	v13 =	vsel vm6, $0x7800, v13;
	v2 =	vsel vm5, $0x880, v2  }
0x23: {  	v3 =	vsel vm5, $0x1880, v3;
	v5 =	vsel vm5, $0x2880, v5;
	v6 =	vsel vm5, $0x3880, v6  }
0x24: {  	v7 =	vsel vm5, $0x4880, v7;
	v11 =	vsel vm5, $0x5880, v11;
	v12 =	vsel vm5, $0x6880, v12  }
0x25: {  	s8 =	rddreg [dreg:$0x0];
	v13 =	vsel vm5, $0x7880, v13;
	v2 =	vsel vm4, $0x900, v2;
	v3 =	vsel vm4, $0x1900, v3  }
0x26: {  	s10 =	rddreg [dreg:$0x1];
	v5 =	vsel vm4, $0x2900, v5;
	v6 =	vsel vm4, $0x3900, v6;
	v7 =	vsel vm4, $0x4900, v7  }
0x27: {  	s0 =	rddreg [dreg:$0x2];
	s1 =	simm.s32 $0x0;
	s3 =	srdreg.scid;
	v11 =	vsel vm4, $0x5900, v11;
	v12 =	vsel vm4, $0x6900, v12;
	v13 =	vsel vm4, $0x7900, v13  }
0x28: {  	s2 =	stileid.u32;
	s14 =	simm.s32 $0x10000;
	s15 =	simm.s32 $0x400;
	v2 =	vsel vm3, $0x980, v2;
	v3 =	vsel vm3, $0x1980, v3;
	v5 =	vsel vm3, $0x2980, v5  }
0x29: {  	s16 =	simm.s32 $0x20000;
	s17 =	simm.s32 $0x2;
	s18 =	simm.s32 $0x12000;
	v6 =	vsel vm3, $0x3980, v6;
	v7 =	vsel vm3, $0x4980, v7;
	v11 =	vsel vm3, $0x5980, v11  }
0x2a: {  	s19 =	simm.s32 $0x3;
	s20 =	simm.s32 $0x4;
	s3 =	sand.u32 $0x1, s3;
	v12 =	vsel vm3, $0x6980, v12;
	v13 =	vsel vm3, $0x7980, v13;
	v2 =	vsel vm2, $0xA00, v2  }
0x2b: {  	s21 =	simm.s32 $0x0;
	[smem:$0x7FF] =	sst s1;
	s4 =	ssub.s32 $0x2, s3;
	v3 =	vsel vm2, $0x1A00, v3;
	v5 =	vsel vm2, $0x2A00, v5;
	v6 =	vsel vm2, $0x3A00, v6  }
0x2c: {  	s5 =	sshll.u32 s2, $0xA;
	s3 =	sshll.u32 s3, $0x9;
	s6 =	sshrl.u32 s4, $0x1;
	v9 =	vsel vm2, $0x4A00, v7;
	v11 =	vsel vm2, $0x5A00, v11;
	v12 =	vsel vm2, $0x6A00, v12  }
0x2d: {  	_ =	strace $0x80000047;
	s5 =	sor.u32 s3, s5;
	s11 =	ssub.s32 s4, s6;
	v15 =	vsel vm2, $0x7A00, v13;
	v2 =	vsel vm1, $0xA80, v2;
	v3 =	vsel vm1, $0x1A80, v3  }
0x2e: {  	s3 =	sshll.u32 s5, $0x5;
	s7 =	sor.u32 $0x80, s5;
	s9 =	sor.u32 $0x100, s5;
	v5 =	vsel vm1, $0x2A80, v5;
	v8 =	vsel vm1, $0x3A80, v6;
	v6 =	vor.u32 $0x20, v0  }
0x2f: {  	s12 =	sor.u32 $0x180, s5;
	s5 =	sadd.s32 s10, s5;
	s3 =	sadd.s32 s8, s3;
	v9 =	vsel vm1, $0x4A80, v9;
	v11 =	vsel vm1, $0x5A80, v11;
	v14 =	vsel vm1, $0x6A80, v12  }
0x30: {  	s30 =	sshll.u32 s7, $0x5;
	s31 =	sshll.u32 s9, $0x5;
	s13 =	sshll.u32 s12, $0x5;
	v12 =	vor.u32 $0x50, v0;
	v15 =	vsel vm1, $0x7A80, v15;
	v2 =	vsel vm0, $0xB00, v2  }
0x31: {  	s7 =	sadd.s32 s10, s7;
	s9 =	sadd.s32 s10, s9;
	s10 =	sadd.s32 s10, s12;
	v3 =	vsel vm0, $0x1B00, v3;
	v5 =	vsel vm0, $0x2B00, v5;
	v7 =	vsel vm0, $0x3B00, v8  }
0x32: {  	s11 =	smax.u32 s11, $0x1;
	s12 =	simm.s32 $0x8000;
	s4 =	sadd.s32 s8, s30;
	v8 =	vor.u32 $0x30, v0;
	v9 =	vsel vm0, $0x4B00, v9;
	v11 =	vsel vm0, $0x5B00, v11  }
0x33: {  	s6 =	sadd.s32 s8, s31;
	s8 =	sadd.s32 s8, s13;
	s13 =	simm.s32 $0x1;
	v13 =	vsel vm0, $0x6B00, v14;
	v14 =	vor.u32 $0x60, v0;
	v15 =	vsel vm0, $0x7B00, v15  }
.LBB2_1:
0x34: {  	v17 =	vadd.s32 s1, v0  }
0x35: {  	v18 =	vadd.s32 s1, v1;
	vm0 =	vgt.u32 v17, $0x3F  }
0x36: {  	v17 =	vsel vm0, v18, v17  }
0x37: {  	v18 =	vshll.u32 v17, $0x2;
	v19 =	vshll.u32 v17, $0x5  }
0x38: {  	v18 =	vand.u32 $0x7C, v18;
	v19 =	vand.u32 $0xFFFFFC00, v19  }
0x39: {  	[tilespmem:s1], [sflag:$0x1] =	stream.linear.gather [hbm4b:s3+s1], $0x8000, $0x38;
	v18 =	vor.u32 v18, v19;
	[tilespmem:$0x14000] =	vst v63  }
0x3a: {  	v19 =	vadd.s32 v2, v18  }
0x3b: {  	[tilespmem:s12], [sflag:$0x2] =	stream.linear.gather [hbm4b:s4+s1], $0x8000, $0x38;
	[tilespmem:$0x14000] =	vst v63  }
0x3c: {  	_ =	swait.ge [sflag:s13], $0x8000  }
0x3d: {  	[sflag:s13] =	ssyncset.done $0x0  }
0x3e: {  	v17 =	vshll.u32 v17, $0x7;
	[sflag:s13] =	ssyncadd.s32 $0xFFFF8000  }
0x3f: {  	v20 =	vor.u32 v0, v17;
	v19 =	vld.idx.msk [tilespmem:v19+s1+$0x0], $0xffff  }
0x40: {  	v21 =	vadd.s32 v3, v18;
	_ =	sdelay $0x3  }
0x41: {  	[tilespmem:v20+s14+$0x0] =	vst.idx.msk $0xffff, v19  }
0x42: {  	v20 =	vor.u32 v4, v17;
	v19 =	vld.idx.msk [tilespmem:v21+s1+$0x0], $0xffff  }
0x43: {  	v21 =	vadd.s32 v5, v18;
	_ =	sdelay $0x3  }
0x44: {  	[tilespmem:v20+s14+$0x0] =	vst.idx.msk $0xffff, v19  }
0x45: {  	v20 =	vor.u32 v6, v17;
	v19 =	vld.idx.msk [tilespmem:v21+s1+$0x0], $0xffff  }
0x46: {  	v21 =	vadd.s32 v7, v18;
	_ =	sdelay $0x3  }
0x47: {  	[tilespmem:v20+s14+$0x0] =	vst.idx.msk $0xffff, v19  }
0x48: {  	v20 =	vor.u32 v8, v17;
	v19 =	vld.idx.msk [tilespmem:v21+s1+$0x0], $0xffff  }
0x49: {  	v21 =	vadd.s32 v9, v18;
	_ =	sdelay $0x3  }
0x4a: {  	[tilespmem:v20+s14+$0x0] =	vst.idx.msk $0xffff, v19  }
0x4b: {  	v20 =	vor.u32 v10, v17;
	v19 =	vld.idx.msk [tilespmem:v21+s1+$0x0], $0xffff  }
0x4c: {  	v21 =	vadd.s32 v11, v18;
	_ =	sdelay $0x3  }
0x4d: {  	[tilespmem:v20+s14+$0x0] =	vst.idx.msk $0xffff, v19  }
0x4e: {  	v20 =	vor.u32 v12, v17;
	v19 =	vld.idx.msk [tilespmem:v21+s1+$0x0], $0xffff  }
0x4f: {  	v21 =	vadd.s32 v13, v18;
	_ =	sdelay $0x3  }
0x50: {  	[tilespmem:v20+s14+$0x0] =	vst.idx.msk $0xffff, v19  }
0x51: {  	v20 =	vor.u32 v14, v17;
	v19 =	vld.idx.msk [tilespmem:v21+s1+$0x0], $0xffff  }
0x52: {  	s22 =	simm.s32 $0x1;
	v18 =	vadd.s32 v15, v18  }
0x53: {  	s23 =	simm.s32 $0x2;
	v21 =	vadd.s32 s22, v0  }
.LBB2_2:
0x54: {  	p0 =	sne.s32 s23, $0x3F;
	vm0 =	vgt.u32 v21, $0x3F;
	v22 =	vadd.s32 s22, v1;
	s22 =	smov.u32 s23  }
0x55: {  	v21 =	vsel vm0, v22, v21  }
0x56: {  	v22 =	vshll.u32 v21, $0x2;
	v23 =	vshll.u32 v21, $0x5;
	[tilespmem:v20+s14+$0x0] =	vst.idx.msk $0xffff, v19  }
0x57: {  	v19 =	vand.u32 $0x7C, v22;
	v20 =	vand.u32 $0xFFFFFC00, v23;
	v18 =	vld.idx.msk [tilespmem:v18+s1+$0x0], $0xffff  }
0x58: {  	v17 =	vor.u32 v16, v17;
	v22 =	vor.u32 v19, v20  }
0x59: {  	v19 =	vadd.s32 v2, v22;
	_ =	sdelay $0x3  }
0x5a: {  	[tilespmem:v17+s14+$0x0] =	vst.idx.msk $0xffff, v18  }
0x5b: {  	v17 =	vshll.u32 v21, $0x7;
	v18 =	vld.idx.msk [tilespmem:v19+s1+$0x0], $0xffff  }
0x5c: {  	v19 =	vor.u32 v0, v17  }
0x5d: {  	v20 =	vadd.s32 v3, v22;
	_ =	sdelay $0x3  }
0x5e: {  	[tilespmem:v19+s14+$0x0] =	vst.idx.msk $0xffff, v18  }
0x5f: {  	v18 =	vld.idx.msk [tilespmem:v20+s1+$0x0], $0xffff  }
0x60: {  	v19 =	vor.u32 v4, v17  }
0x61: {  	v20 =	vadd.s32 v5, v22;
	_ =	sdelay $0x3  }
0x62: {  	[tilespmem:v19+s14+$0x0] =	vst.idx.msk $0xffff, v18  }
0x63: {  	v18 =	vld.idx.msk [tilespmem:v20+s1+$0x0], $0xffff  }
0x64: {  	v19 =	vor.u32 v6, v17  }
0x65: {  	v20 =	vadd.s32 v7, v22;
	_ =	sdelay $0x3  }
0x66: {  	[tilespmem:v19+s14+$0x0] =	vst.idx.msk $0xffff, v18  }
0x67: {  	v18 =	vld.idx.msk [tilespmem:v20+s1+$0x0], $0xffff  }
0x68: {  	v19 =	vor.u32 v8, v17  }
0x69: {  	v20 =	vadd.s32 v9, v22;
	_ =	sdelay $0x3  }
0x6a: {  	[tilespmem:v19+s14+$0x0] =	vst.idx.msk $0xffff, v18  }
0x6b: {  	v18 =	vld.idx.msk [tilespmem:v20+s1+$0x0], $0xffff  }
0x6c: {  	v19 =	vor.u32 v10, v17  }
0x6d: {  	v20 =	vadd.s32 v11, v22;
	_ =	sdelay $0x3  }
0x6e: {  	[tilespmem:v19+s14+$0x0] =	vst.idx.msk $0xffff, v18  }
0x6f: {  	v18 =	vld.idx.msk [tilespmem:v20+s1+$0x0], $0xffff  }
0x70: {  	v19 =	vor.u32 v12, v17  }
0x71: {  	v20 =	vadd.s32 v13, v22;
	_ =	sdelay $0x3  }
.Ltmp0:
0x72: {  	[tilespmem:v19+s14+$0x0] =	vst.idx.msk $0xffff, v18;
	(pc) =	sbr.rel @p0 .LBB2_2-.Ltmp0, $4  }
0x73: {  	v19 =	vld.idx.msk [tilespmem:v20+s1+$0x0], $0xffff  }
0x74: {  	v20 =	vor.u32 v14, v17  }
0x75: {  	v18 =	vadd.s32 v15, v22  }
0x76: {  	s23 =	sadd.s32 $0x1, s23;
	v21 =	vadd.s32 s22, v0  }
0x77: {  	_ = 	snop  }
0x78: {  	vm0 =	vgt.u32 v21, $0x3F;
	v22 =	vadd.s32 s22, v1  }
0x79: {  	v21 =	vsel vm0, v22, v21  }
0x7a: {  	v22 =	vshll.u32 v21, $0x2;
	v23 =	vshll.u32 v21, $0x5  }
0x7b: {  	[tilespmem:v20+s14+$0x0] =	vst.idx.msk $0xffff, v19;
	v19 =	vand.u32 $0x7C, v22;
	v20 =	vand.u32 $0xFFFFFC00, v23  }
0x7c: {  	v17 =	vor.u32 v16, v17;
	v18 =	vld.idx.msk [tilespmem:v18+s1+$0x0], $0xffff;
	v19 =	vor.u32 v19, v20  }
0x7d: {  	v20 =	vadd.s32 v2, v19;
	_ =	sdelay $0x3  }
0x7e: {  	[tilespmem:v17+s14+$0x0] =	vst.idx.msk $0xffff, v18;
	v17 =	vshll.u32 v21, $0x7  }
0x7f: {  	v18 =	vld.idx.msk [tilespmem:v20+s1+$0x0], $0xffff;
	v20 =	vor.u32 v0, v17  }
0x80: {  	v21 =	vadd.s32 v3, v19;
	_ =	sdelay $0x3  }
0x81: {  	[tilespmem:v20+s14+$0x0] =	vst.idx.msk $0xffff, v18  }
0x82: {  	v20 =	vor.u32 v4, v17;
	v18 =	vld.idx.msk [tilespmem:v21+s1+$0x0], $0xffff  }
0x83: {  	v21 =	vadd.s32 v5, v19;
	_ =	sdelay $0x3  }
0x84: {  	[tilespmem:v20+s14+$0x0] =	vst.idx.msk $0xffff, v18  }
0x85: {  	v20 =	vor.u32 v6, v17;
	v18 =	vld.idx.msk [tilespmem:v21+s1+$0x0], $0xffff  }
0x86: {  	v21 =	vadd.s32 v7, v19;
	_ =	sdelay $0x3  }
0x87: {  	[tilespmem:v20+s14+$0x0] =	vst.idx.msk $0xffff, v18  }
0x88: {  	v20 =	vor.u32 v8, v17;
	v18 =	vld.idx.msk [tilespmem:v21+s1+$0x0], $0xffff  }
0x89: {  	v21 =	vadd.s32 v9, v19;
	_ =	sdelay $0x3  }
0x8a: {  	[tilespmem:v20+s14+$0x0] =	vst.idx.msk $0xffff, v18  }
0x8b: {  	v20 =	vor.u32 v10, v17;
	v18 =	vld.idx.msk [tilespmem:v21+s1+$0x0], $0xffff  }
0x8c: {  	v21 =	vadd.s32 v11, v19;
	_ =	sdelay $0x3  }
0x8d: {  	[tilespmem:v20+s14+$0x0] =	vst.idx.msk $0xffff, v18  }
0x8e: {  	v20 =	vor.u32 v12, v17;
	v18 =	vld.idx.msk [tilespmem:v21+s1+$0x0], $0xffff  }
0x8f: {  	v21 =	vadd.s32 v13, v19;
	_ =	sdelay $0x3  }
0x90: {  	[tilespmem:v20+s14+$0x0] =	vst.idx.msk $0xffff, v18  }
0x91: {  	v20 =	vor.u32 v14, v17;
	v18 =	vld.idx.msk [tilespmem:v21+s1+$0x0], $0xffff  }
0x92: {  	v19 =	vadd.s32 v15, v19;
	_ =	sdelay $0x3  }
0x93: {  	[tilespmem:v20+s14+$0x0] =	vst.idx.msk $0xffff, v18  }
0x94: {  	s31 =	simm.s32 $0x0;
	v17 =	vor.u32 v16, v17;
	v18 =	vld.idx.msk [tilespmem:v19+s1+$0x0], $0xffff  }
0x95: {  	v19 =	vadd.s32 s31, v0  }
0x96: {  	v20 =	vadd.s32 s31, v1;
	vm15 =	vgt.u32 v19, $0x3F  }
0x97: {  	v19 =	vsel vm15, v20, v19  }
0x98: {  	v20 =	vshll.u32 v19, $0x2;
	v21 =	vshll.u32 v19, $0x5  }
0x99: {  	[tilespmem:v17+s14+$0x0] =	vst.idx.msk $0xffff, v18;
	v17 =	vand.u32 $0x7C, v20;
	v18 =	vand.u32 $0xFFFFFC00, v21  }
0x9a: {  	[hbm4b:s5+s15] =	stream.strided.scatter [tilespmem:s14], [sflag:$0x3], $0x2000, s16, s15, $0x38;
	v18 =	vor.u32 v17, v18;
	[tilespmem:$0x14000] =	vst v63  }
0x9b: {  	v20 =	vadd.s32 v2, v18  }
0x9c: {  	[tilespmem:s31], [sflag:$0x1] =	stream.linear.gather [hbm4b:s6+s31], $0x8000, $0x38;
	[tilespmem:$0x14000] =	vst v63  }
0x9d: {  	_ =	swait.ge [sflag:s17], $0x8000  }
0x9e: {  	[sflag:s17] =	ssyncset.done $0x0  }
0x9f: {  	v17 =	vshll.u32 v19, $0x7;
	[sflag:s17] =	ssyncadd.s32 $0xFFFF8000  }
0xa0: {  	v19 =	vld.idx.msk [tilespmem:v20+s12+$0x0], $0xffff;
	v20 =	vor.u32 v0, v17  }
0xa1: {  	v21 =	vadd.s32 v3, v18;
	_ =	sdelay $0x3  }
0xa2: {  	[tilespmem:v20+s18+$0x0] =	vst.idx.msk $0xffff, v19  }
0xa3: {  	v20 =	vor.u32 v4, v17;
	v19 =	vld.idx.msk [tilespmem:v21+s12+$0x0], $0xffff  }
0xa4: {  	v21 =	vadd.s32 v5, v18;
	_ =	sdelay $0x3  }
0xa5: {  	[tilespmem:v20+s18+$0x0] =	vst.idx.msk $0xffff, v19  }
0xa6: {  	v20 =	vor.u32 v6, v17;
	v19 =	vld.idx.msk [tilespmem:v21+s12+$0x0], $0xffff  }
0xa7: {  	v21 =	vadd.s32 v7, v18;
	_ =	sdelay $0x3  }
0xa8: {  	[tilespmem:v20+s18+$0x0] =	vst.idx.msk $0xffff, v19  }
0xa9: {  	v20 =	vor.u32 v8, v17;
	v19 =	vld.idx.msk [tilespmem:v21+s12+$0x0], $0xffff  }
0xaa: {  	v21 =	vadd.s32 v9, v18;
	_ =	sdelay $0x3  }
0xab: {  	[tilespmem:v20+s18+$0x0] =	vst.idx.msk $0xffff, v19  }
0xac: {  	v20 =	vor.u32 v10, v17;
	v19 =	vld.idx.msk [tilespmem:v21+s12+$0x0], $0xffff  }
0xad: {  	v21 =	vadd.s32 v11, v18;
	_ =	sdelay $0x3  }
0xae: {  	[tilespmem:v20+s18+$0x0] =	vst.idx.msk $0xffff, v19  }
0xaf: {  	v20 =	vor.u32 v12, v17;
	v19 =	vld.idx.msk [tilespmem:v21+s12+$0x0], $0xffff  }
0xb0: {  	v21 =	vadd.s32 v13, v18;
	_ =	sdelay $0x3  }
0xb1: {  	[tilespmem:v20+s18+$0x0] =	vst.idx.msk $0xffff, v19  }
0xb2: {  	v20 =	vor.u32 v14, v17;
	v19 =	vld.idx.msk [tilespmem:v21+s12+$0x0], $0xffff  }
0xb3: {  	s22 =	simm.s32 $0x1;
	v18 =	vadd.s32 v15, v18  }
0xb4: {  	s23 =	simm.s32 $0x2;
	v21 =	vadd.s32 s22, v0  }
.LBB2_4:
0xb5: {  	p0 =	sne.s32 s23, $0x3F;
	vm0 =	vgt.u32 v21, $0x3F;
	v22 =	vadd.s32 s22, v1;
	s22 =	smov.u32 s23  }
0xb6: {  	v21 =	vsel vm0, v22, v21  }
0xb7: {  	v22 =	vshll.u32 v21, $0x2;
	v23 =	vshll.u32 v21, $0x5;
	[tilespmem:v20+s18+$0x0] =	vst.idx.msk $0xffff, v19  }
0xb8: {  	v19 =	vand.u32 $0x7C, v22;
	v20 =	vand.u32 $0xFFFFFC00, v23;
	v18 =	vld.idx.msk [tilespmem:v18+s12+$0x0], $0xffff  }
0xb9: {  	v17 =	vor.u32 v16, v17;
	v22 =	vor.u32 v19, v20  }
0xba: {  	v19 =	vadd.s32 v2, v22;
	_ =	sdelay $0x3  }
0xbb: {  	[tilespmem:v17+s18+$0x0] =	vst.idx.msk $0xffff, v18  }
0xbc: {  	v17 =	vshll.u32 v21, $0x7;
	v18 =	vld.idx.msk [tilespmem:v19+s12+$0x0], $0xffff  }
0xbd: {  	v19 =	vor.u32 v0, v17  }
0xbe: {  	v20 =	vadd.s32 v3, v22;
	_ =	sdelay $0x3  }
0xbf: {  	[tilespmem:v19+s18+$0x0] =	vst.idx.msk $0xffff, v18  }
0xc0: {  	v18 =	vld.idx.msk [tilespmem:v20+s12+$0x0], $0xffff  }
0xc1: {  	v19 =	vor.u32 v4, v17  }
0xc2: {  	v20 =	vadd.s32 v5, v22;
	_ =	sdelay $0x3  }
0xc3: {  	[tilespmem:v19+s18+$0x0] =	vst.idx.msk $0xffff, v18  }
0xc4: {  	v18 =	vld.idx.msk [tilespmem:v20+s12+$0x0], $0xffff  }
0xc5: {  	v19 =	vor.u32 v6, v17  }
0xc6: {  	v20 =	vadd.s32 v7, v22;
	_ =	sdelay $0x3  }
0xc7: {  	[tilespmem:v19+s18+$0x0] =	vst.idx.msk $0xffff, v18  }
0xc8: {  	v18 =	vld.idx.msk [tilespmem:v20+s12+$0x0], $0xffff  }
0xc9: {  	v19 =	vor.u32 v8, v17  }
0xca: {  	v20 =	vadd.s32 v9, v22;
	_ =	sdelay $0x3  }
0xcb: {  	[tilespmem:v19+s18+$0x0] =	vst.idx.msk $0xffff, v18  }
0xcc: {  	v18 =	vld.idx.msk [tilespmem:v20+s12+$0x0], $0xffff  }
0xcd: {  	v19 =	vor.u32 v10, v17  }
0xce: {  	v20 =	vadd.s32 v11, v22;
	_ =	sdelay $0x3  }
0xcf: {  	[tilespmem:v19+s18+$0x0] =	vst.idx.msk $0xffff, v18  }
0xd0: {  	v18 =	vld.idx.msk [tilespmem:v20+s12+$0x0], $0xffff  }
0xd1: {  	v19 =	vor.u32 v12, v17  }
0xd2: {  	v20 =	vadd.s32 v13, v22;
	_ =	sdelay $0x3  }
.Ltmp1:
0xd3: {  	[tilespmem:v19+s18+$0x0] =	vst.idx.msk $0xffff, v18;
	(pc) =	sbr.rel @p0 .LBB2_4-.Ltmp1, $4  }
0xd4: {  	v19 =	vld.idx.msk [tilespmem:v20+s12+$0x0], $0xffff  }
0xd5: {  	v20 =	vor.u32 v14, v17  }
0xd6: {  	v18 =	vadd.s32 v15, v22  }
0xd7: {  	s23 =	sadd.s32 $0x1, s23;
	v21 =	vadd.s32 s22, v0  }
0xd8: {  	_ = 	snop  }
0xd9: {  	vm0 =	vgt.u32 v21, $0x3F;
	v22 =	vadd.s32 s22, v1  }
0xda: {  	v21 =	vsel vm0, v22, v21  }
0xdb: {  	v22 =	vshll.u32 v21, $0x2;
	v23 =	vshll.u32 v21, $0x5  }
0xdc: {  	[tilespmem:v20+s18+$0x0] =	vst.idx.msk $0xffff, v19;
	v19 =	vand.u32 $0x7C, v22;
	v20 =	vand.u32 $0xFFFFFC00, v23  }
0xdd: {  	v17 =	vor.u32 v16, v17;
	v18 =	vld.idx.msk [tilespmem:v18+s12+$0x0], $0xffff;
	v19 =	vor.u32 v19, v20  }
0xde: {  	v20 =	vadd.s32 v2, v19;
	_ =	sdelay $0x3  }
0xdf: {  	[tilespmem:v17+s18+$0x0] =	vst.idx.msk $0xffff, v18;
	v17 =	vshll.u32 v21, $0x7  }
0xe0: {  	v18 =	vld.idx.msk [tilespmem:v20+s12+$0x0], $0xffff;
	v20 =	vor.u32 v0, v17  }
0xe1: {  	v21 =	vadd.s32 v3, v19;
	_ =	sdelay $0x3  }
0xe2: {  	[tilespmem:v20+s18+$0x0] =	vst.idx.msk $0xffff, v18  }
0xe3: {  	v20 =	vor.u32 v4, v17;
	v18 =	vld.idx.msk [tilespmem:v21+s12+$0x0], $0xffff  }
0xe4: {  	v21 =	vadd.s32 v5, v19;
	_ =	sdelay $0x3  }
0xe5: {  	[tilespmem:v20+s18+$0x0] =	vst.idx.msk $0xffff, v18  }
0xe6: {  	v20 =	vor.u32 v6, v17;
	v18 =	vld.idx.msk [tilespmem:v21+s12+$0x0], $0xffff  }
0xe7: {  	v21 =	vadd.s32 v7, v19;
	_ =	sdelay $0x3  }
0xe8: {  	[tilespmem:v20+s18+$0x0] =	vst.idx.msk $0xffff, v18  }
0xe9: {  	v20 =	vor.u32 v8, v17;
	v18 =	vld.idx.msk [tilespmem:v21+s12+$0x0], $0xffff  }
0xea: {  	v21 =	vadd.s32 v9, v19;
	_ =	sdelay $0x3  }
0xeb: {  	[tilespmem:v20+s18+$0x0] =	vst.idx.msk $0xffff, v18  }
0xec: {  	v20 =	vor.u32 v10, v17;
	v18 =	vld.idx.msk [tilespmem:v21+s12+$0x0], $0xffff  }
0xed: {  	v21 =	vadd.s32 v11, v19;
	_ =	sdelay $0x3  }
0xee: {  	[tilespmem:v20+s18+$0x0] =	vst.idx.msk $0xffff, v18  }
0xef: {  	v20 =	vor.u32 v12, v17;
	v18 =	vld.idx.msk [tilespmem:v21+s12+$0x0], $0xffff  }
0xf0: {  	v21 =	vadd.s32 v13, v19;
	_ =	sdelay $0x3  }
0xf1: {  	[tilespmem:v20+s18+$0x0] =	vst.idx.msk $0xffff, v18  }
0xf2: {  	v20 =	vor.u32 v14, v17;
	v18 =	vld.idx.msk [tilespmem:v21+s12+$0x0], $0xffff  }
0xf3: {  	v19 =	vadd.s32 v15, v19;
	_ =	sdelay $0x3  }
0xf4: {  	[tilespmem:v20+s18+$0x0] =	vst.idx.msk $0xffff, v18  }
0xf5: {  	v17 =	vor.u32 v16, v17;
	v18 =	vld.idx.msk [tilespmem:v19+s12+$0x0], $0xffff;
	_ =	sdelay $0x2  }
0xf6: {  	s31 =	simm.s32 $0x0  }
0xf7: {  	v19 =	vadd.s32 s31, v0  }
0xf8: {  	vm15 =	vgt.u32 v19, $0x3F;
	[tilespmem:v17+s18+$0x0] =	vst.idx.msk $0xffff, v18;
	v17 =	vadd.s32 s31, v1  }
0xf9: {  	[hbm4b:s7+s15] =	stream.strided.scatter [tilespmem:s18], [sflag:$0x4], $0x2000, s16, s15, $0x38;
	v17 =	vsel vm15, v17, v19;
	[tilespmem:$0x14000] =	vst v63  }
0xfa: {  	v18 =	vshll.u32 v17, $0x2;
	v19 =	vshll.u32 v17, $0x5  }
0xfb: {  	[tilespmem:s12], [sflag:$0x2] =	stream.linear.gather [hbm4b:s8+s31], $0x8000, $0x38;
	v18 =	vand.u32 $0x7C, v18;
	v19 =	vand.u32 $0xFFFFFC00, v19;
	[tilespmem:$0x14000] =	vst v63  }
0xfc: {  	_ =	swait.ge [sflag:s13], $0x8000;
	v18 =	vor.u32 v18, v19  }
0xfd: {  	[sflag:s13] =	ssyncset.done $0x0;
	v19 =	vadd.s32 v2, v18  }
0xfe: {  	[sflag:s13] =	ssyncadd.s32 $0xFFFF8000  }
0xff: {  	_ =	swait.ge [sflag:s19], $0x2000  }
0x100: {  	[sflag:s19] =	ssyncset.done $0x0  }
0x101: {  	v17 =	vshll.u32 v17, $0x7;
	[sflag:s19] =	ssyncadd.s32 $0xFFFFE000  }
0x102: {  	v20 =	vor.u32 v0, v17;
	v19 =	vld.idx.msk [tilespmem:v19+s1+$0x0], $0xffff  }
0x103: {  	v21 =	vadd.s32 v3, v18;
	_ =	sdelay $0x3  }
0x104: {  	[tilespmem:v20+s14+$0x0] =	vst.idx.msk $0xffff, v19  }
0x105: {  	v20 =	vor.u32 v4, v17;
	v19 =	vld.idx.msk [tilespmem:v21+s1+$0x0], $0xffff  }
0x106: {  	v21 =	vadd.s32 v5, v18;
	_ =	sdelay $0x3  }
0x107: {  	[tilespmem:v20+s14+$0x0] =	vst.idx.msk $0xffff, v19  }
0x108: {  	v20 =	vor.u32 v6, v17;
	v19 =	vld.idx.msk [tilespmem:v21+s1+$0x0], $0xffff  }
0x109: {  	v21 =	vadd.s32 v7, v18;
	_ =	sdelay $0x3  }
0x10a: {  	[tilespmem:v20+s14+$0x0] =	vst.idx.msk $0xffff, v19  }
0x10b: {  	v20 =	vor.u32 v8, v17;
	v19 =	vld.idx.msk [tilespmem:v21+s1+$0x0], $0xffff  }
0x10c: {  	v21 =	vadd.s32 v9, v18;
	_ =	sdelay $0x3  }
0x10d: {  	[tilespmem:v20+s14+$0x0] =	vst.idx.msk $0xffff, v19  }
0x10e: {  	v20 =	vor.u32 v10, v17;
	v19 =	vld.idx.msk [tilespmem:v21+s1+$0x0], $0xffff  }
0x10f: {  	v21 =	vadd.s32 v11, v18;
	_ =	sdelay $0x3  }
0x110: {  	[tilespmem:v20+s14+$0x0] =	vst.idx.msk $0xffff, v19  }
0x111: {  	v20 =	vor.u32 v12, v17;
	v19 =	vld.idx.msk [tilespmem:v21+s1+$0x0], $0xffff  }
0x112: {  	v21 =	vadd.s32 v13, v18;
	_ =	sdelay $0x3  }
0x113: {  	[tilespmem:v20+s14+$0x0] =	vst.idx.msk $0xffff, v19  }
0x114: {  	v20 =	vor.u32 v14, v17;
	v19 =	vld.idx.msk [tilespmem:v21+s1+$0x0], $0xffff  }
0x115: {  	s22 =	simm.s32 $0x1;
	v18 =	vadd.s32 v15, v18  }
0x116: {  	s23 =	simm.s32 $0x2;
	v21 =	vadd.s32 s22, v0  }
.LBB2_6:
0x117: {  	p0 =	sne.s32 s23, $0x3F;
	vm0 =	vgt.u32 v21, $0x3F;
	v22 =	vadd.s32 s22, v1;
	s22 =	smov.u32 s23  }
0x118: {  	v21 =	vsel vm0, v22, v21  }
0x119: {  	v22 =	vshll.u32 v21, $0x2;
	v23 =	vshll.u32 v21, $0x5;
	[tilespmem:v20+s14+$0x0] =	vst.idx.msk $0xffff, v19  }
0x11a: {  	v19 =	vand.u32 $0x7C, v22;
	v20 =	vand.u32 $0xFFFFFC00, v23;
	v18 =	vld.idx.msk [tilespmem:v18+s1+$0x0], $0xffff  }
0x11b: {  	v17 =	vor.u32 v16, v17;
	v22 =	vor.u32 v19, v20  }
0x11c: {  	v19 =	vadd.s32 v2, v22;
	_ =	sdelay $0x3  }
0x11d: {  	[tilespmem:v17+s14+$0x0] =	vst.idx.msk $0xffff, v18  }
0x11e: {  	v17 =	vshll.u32 v21, $0x7;
	v18 =	vld.idx.msk [tilespmem:v19+s1+$0x0], $0xffff  }
0x11f: {  	v19 =	vor.u32 v0, v17  }
0x120: {  	v20 =	vadd.s32 v3, v22;
	_ =	sdelay $0x3  }
0x121: {  	[tilespmem:v19+s14+$0x0] =	vst.idx.msk $0xffff, v18  }
0x122: {  	v18 =	vld.idx.msk [tilespmem:v20+s1+$0x0], $0xffff  }
0x123: {  	v19 =	vor.u32 v4, v17  }
0x124: {  	v20 =	vadd.s32 v5, v22;
	_ =	sdelay $0x3  }
0x125: {  	[tilespmem:v19+s14+$0x0] =	vst.idx.msk $0xffff, v18  }
0x126: {  	v18 =	vld.idx.msk [tilespmem:v20+s1+$0x0], $0xffff  }
0x127: {  	v19 =	vor.u32 v6, v17  }
0x128: {  	v20 =	vadd.s32 v7, v22;
	_ =	sdelay $0x3  }
0x129: {  	[tilespmem:v19+s14+$0x0] =	vst.idx.msk $0xffff, v18  }
0x12a: {  	v18 =	vld.idx.msk [tilespmem:v20+s1+$0x0], $0xffff  }
0x12b: {  	v19 =	vor.u32 v8, v17  }
0x12c: {  	v20 =	vadd.s32 v9, v22;
	_ =	sdelay $0x3  }
0x12d: {  	[tilespmem:v19+s14+$0x0] =	vst.idx.msk $0xffff, v18  }
0x12e: {  	v18 =	vld.idx.msk [tilespmem:v20+s1+$0x0], $0xffff  }
0x12f: {  	v19 =	vor.u32 v10, v17  }
0x130: {  	v20 =	vadd.s32 v11, v22;
	_ =	sdelay $0x3  }
0x131: {  	[tilespmem:v19+s14+$0x0] =	vst.idx.msk $0xffff, v18  }
0x132: {  	v18 =	vld.idx.msk [tilespmem:v20+s1+$0x0], $0xffff  }
0x133: {  	v19 =	vor.u32 v12, v17  }
0x134: {  	v20 =	vadd.s32 v13, v22;
	_ =	sdelay $0x3  }
.Ltmp2:
0x135: {  	[tilespmem:v19+s14+$0x0] =	vst.idx.msk $0xffff, v18;
	(pc) =	sbr.rel @p0 .LBB2_6-.Ltmp2, $4  }
0x136: {  	v19 =	vld.idx.msk [tilespmem:v20+s1+$0x0], $0xffff  }
0x137: {  	v20 =	vor.u32 v14, v17  }
0x138: {  	v18 =	vadd.s32 v15, v22  }
0x139: {  	s23 =	sadd.s32 $0x1, s23;
	v21 =	vadd.s32 s22, v0  }
0x13a: {  	_ = 	snop  }
0x13b: {  	vm0 =	vgt.u32 v21, $0x3F;
	v22 =	vadd.s32 s22, v1  }
0x13c: {  	v21 =	vsel vm0, v22, v21  }
0x13d: {  	v22 =	vshll.u32 v21, $0x2;
	v23 =	vshll.u32 v21, $0x5  }
0x13e: {  	[tilespmem:v20+s14+$0x0] =	vst.idx.msk $0xffff, v19;
	v19 =	vand.u32 $0x7C, v22;
	v20 =	vand.u32 $0xFFFFFC00, v23  }
0x13f: {  	v17 =	vor.u32 v16, v17;
	v18 =	vld.idx.msk [tilespmem:v18+s1+$0x0], $0xffff;
	v19 =	vor.u32 v19, v20  }
0x140: {  	v20 =	vadd.s32 v2, v19;
	_ =	sdelay $0x3  }
0x141: {  	[tilespmem:v17+s14+$0x0] =	vst.idx.msk $0xffff, v18;
	v17 =	vshll.u32 v21, $0x7  }
0x142: {  	v18 =	vld.idx.msk [tilespmem:v20+s1+$0x0], $0xffff;
	v20 =	vor.u32 v0, v17  }
0x143: {  	v21 =	vadd.s32 v3, v19;
	_ =	sdelay $0x3  }
0x144: {  	[tilespmem:v20+s14+$0x0] =	vst.idx.msk $0xffff, v18  }
0x145: {  	v20 =	vor.u32 v4, v17;
	v18 =	vld.idx.msk [tilespmem:v21+s1+$0x0], $0xffff  }
0x146: {  	v21 =	vadd.s32 v5, v19;
	_ =	sdelay $0x3  }
0x147: {  	[tilespmem:v20+s14+$0x0] =	vst.idx.msk $0xffff, v18  }
0x148: {  	v20 =	vor.u32 v6, v17;
	v18 =	vld.idx.msk [tilespmem:v21+s1+$0x0], $0xffff  }
0x149: {  	v21 =	vadd.s32 v7, v19;
	_ =	sdelay $0x3  }
0x14a: {  	[tilespmem:v20+s14+$0x0] =	vst.idx.msk $0xffff, v18  }
0x14b: {  	v20 =	vor.u32 v8, v17;
	v18 =	vld.idx.msk [tilespmem:v21+s1+$0x0], $0xffff  }
0x14c: {  	v21 =	vadd.s32 v9, v19;
	_ =	sdelay $0x3  }
0x14d: {  	[tilespmem:v20+s14+$0x0] =	vst.idx.msk $0xffff, v18  }
0x14e: {  	v20 =	vor.u32 v10, v17;
	v18 =	vld.idx.msk [tilespmem:v21+s1+$0x0], $0xffff  }
0x14f: {  	v21 =	vadd.s32 v11, v19;
	_ =	sdelay $0x3  }
0x150: {  	[tilespmem:v20+s14+$0x0] =	vst.idx.msk $0xffff, v18  }
0x151: {  	v20 =	vor.u32 v12, v17;
	v18 =	vld.idx.msk [tilespmem:v21+s1+$0x0], $0xffff  }
0x152: {  	v21 =	vadd.s32 v13, v19;
	_ =	sdelay $0x3  }
0x153: {  	[tilespmem:v20+s14+$0x0] =	vst.idx.msk $0xffff, v18  }
0x154: {  	v20 =	vor.u32 v14, v17;
	v18 =	vld.idx.msk [tilespmem:v21+s1+$0x0], $0xffff  }
0x155: {  	v19 =	vadd.s32 v15, v19;
	_ =	sdelay $0x3  }
0x156: {  	[tilespmem:v20+s14+$0x0] =	vst.idx.msk $0xffff, v18  }
0x157: {  	v17 =	vor.u32 v16, v17;
	v18 =	vld.idx.msk [tilespmem:v19+s1+$0x0], $0xffff  }
0x158: {  	s31 =	simm.s32 $0x0  }
0x159: {  	v19 =	vadd.s32 s31, v0  }
0x15a: {  	v20 =	vadd.s32 s31, v1;
	vm15 =	vgt.u32 v19, $0x3F  }
0x15b: {  	v19 =	vsel vm15, v20, v19  }
0x15c: {  	[tilespmem:v17+s14+$0x0] =	vst.idx.msk $0xffff, v18;
	v17 =	vshll.u32 v19, $0x2;
	v18 =	vshll.u32 v19, $0x5  }
0x15d: {  	[hbm4b:s9+s15] =	stream.strided.scatter [tilespmem:s14], [sflag:$0x3], $0x2000, s16, s15, $0x38;
	v17 =	vand.u32 $0x7C, v17;
	v18 =	vand.u32 $0xFFFFFC00, v18;
	[tilespmem:$0x14000] =	vst v63  }
0x15e: {  	_ =	swait.ge [sflag:s17], $0x8000;
	v18 =	vor.u32 v17, v18  }
0x15f: {  	[sflag:s17] =	ssyncset.done $0x0;
	v20 =	vadd.s32 v2, v18  }
0x160: {  	[sflag:s17] =	ssyncadd.s32 $0xFFFF8000  }
0x161: {  	_ =	swait.ge [sflag:s20], $0x2000  }
0x162: {  	[sflag:s20] =	ssyncset.done $0x0  }
0x163: {  	v17 =	vshll.u32 v19, $0x7;
	[sflag:s20] =	ssyncadd.s32 $0xFFFFE000  }
0x164: {  	v19 =	vld.idx.msk [tilespmem:v20+s12+$0x0], $0xffff;
	v20 =	vor.u32 v0, v17  }
0x165: {  	v21 =	vadd.s32 v3, v18;
	_ =	sdelay $0x3  }
0x166: {  	[tilespmem:v20+s18+$0x0] =	vst.idx.msk $0xffff, v19  }
0x167: {  	v20 =	vor.u32 v4, v17;
	v19 =	vld.idx.msk [tilespmem:v21+s12+$0x0], $0xffff  }
0x168: {  	v21 =	vadd.s32 v5, v18;
	_ =	sdelay $0x3  }
0x169: {  	[tilespmem:v20+s18+$0x0] =	vst.idx.msk $0xffff, v19  }
0x16a: {  	v20 =	vor.u32 v6, v17;
	v19 =	vld.idx.msk [tilespmem:v21+s12+$0x0], $0xffff  }
0x16b: {  	v21 =	vadd.s32 v7, v18;
	_ =	sdelay $0x3  }
0x16c: {  	[tilespmem:v20+s18+$0x0] =	vst.idx.msk $0xffff, v19  }
0x16d: {  	v20 =	vor.u32 v8, v17;
	v19 =	vld.idx.msk [tilespmem:v21+s12+$0x0], $0xffff  }
0x16e: {  	v21 =	vadd.s32 v9, v18;
	_ =	sdelay $0x3  }
0x16f: {  	[tilespmem:v20+s18+$0x0] =	vst.idx.msk $0xffff, v19  }
0x170: {  	v20 =	vor.u32 v10, v17;
	v19 =	vld.idx.msk [tilespmem:v21+s12+$0x0], $0xffff  }
0x171: {  	v21 =	vadd.s32 v11, v18;
	_ =	sdelay $0x3  }
0x172: {  	[tilespmem:v20+s18+$0x0] =	vst.idx.msk $0xffff, v19  }
0x173: {  	v20 =	vor.u32 v12, v17;
	v19 =	vld.idx.msk [tilespmem:v21+s12+$0x0], $0xffff  }
0x174: {  	v21 =	vadd.s32 v13, v18;
	_ =	sdelay $0x3  }
0x175: {  	[tilespmem:v20+s18+$0x0] =	vst.idx.msk $0xffff, v19  }
0x176: {  	v20 =	vor.u32 v14, v17;
	v19 =	vld.idx.msk [tilespmem:v21+s12+$0x0], $0xffff  }
0x177: {  	s22 =	simm.s32 $0x1;
	v18 =	vadd.s32 v15, v18  }
0x178: {  	s23 =	simm.s32 $0x2;
	v21 =	vadd.s32 s22, v0  }
.LBB2_8:
0x179: {  	p0 =	sne.s32 s23, $0x3F;
	vm0 =	vgt.u32 v21, $0x3F;
	v22 =	vadd.s32 s22, v1;
	s22 =	smov.u32 s23  }
0x17a: {  	v21 =	vsel vm0, v22, v21  }
0x17b: {  	v22 =	vshll.u32 v21, $0x2;
	v23 =	vshll.u32 v21, $0x5;
	[tilespmem:v20+s18+$0x0] =	vst.idx.msk $0xffff, v19  }
0x17c: {  	v19 =	vand.u32 $0x7C, v22;
	v20 =	vand.u32 $0xFFFFFC00, v23;
	v18 =	vld.idx.msk [tilespmem:v18+s12+$0x0], $0xffff  }
0x17d: {  	v17 =	vor.u32 v16, v17;
	v22 =	vor.u32 v19, v20  }
0x17e: {  	v19 =	vadd.s32 v2, v22;
	_ =	sdelay $0x3  }
0x17f: {  	[tilespmem:v17+s18+$0x0] =	vst.idx.msk $0xffff, v18  }
0x180: {  	v17 =	vshll.u32 v21, $0x7;
	v18 =	vld.idx.msk [tilespmem:v19+s12+$0x0], $0xffff  }
0x181: {  	v19 =	vor.u32 v0, v17  }
0x182: {  	v20 =	vadd.s32 v3, v22;
	_ =	sdelay $0x3  }
0x183: {  	[tilespmem:v19+s18+$0x0] =	vst.idx.msk $0xffff, v18  }
0x184: {  	v18 =	vld.idx.msk [tilespmem:v20+s12+$0x0], $0xffff  }
0x185: {  	v19 =	vor.u32 v4, v17  }
0x186: {  	v20 =	vadd.s32 v5, v22;
	_ =	sdelay $0x3  }
0x187: {  	[tilespmem:v19+s18+$0x0] =	vst.idx.msk $0xffff, v18  }
0x188: {  	v18 =	vld.idx.msk [tilespmem:v20+s12+$0x0], $0xffff  }
0x189: {  	v19 =	vor.u32 v6, v17  }
0x18a: {  	v20 =	vadd.s32 v7, v22;
	_ =	sdelay $0x3  }
0x18b: {  	[tilespmem:v19+s18+$0x0] =	vst.idx.msk $0xffff, v18  }
0x18c: {  	v18 =	vld.idx.msk [tilespmem:v20+s12+$0x0], $0xffff  }
0x18d: {  	v19 =	vor.u32 v8, v17  }
0x18e: {  	v20 =	vadd.s32 v9, v22;
	_ =	sdelay $0x3  }
0x18f: {  	[tilespmem:v19+s18+$0x0] =	vst.idx.msk $0xffff, v18  }
0x190: {  	v18 =	vld.idx.msk [tilespmem:v20+s12+$0x0], $0xffff  }
0x191: {  	v19 =	vor.u32 v10, v17  }
0x192: {  	v20 =	vadd.s32 v11, v22;
	_ =	sdelay $0x3  }
0x193: {  	[tilespmem:v19+s18+$0x0] =	vst.idx.msk $0xffff, v18  }
0x194: {  	v18 =	vld.idx.msk [tilespmem:v20+s12+$0x0], $0xffff  }
0x195: {  	v19 =	vor.u32 v12, v17  }
0x196: {  	v20 =	vadd.s32 v13, v22;
	_ =	sdelay $0x3  }
.Ltmp3:
0x197: {  	[tilespmem:v19+s18+$0x0] =	vst.idx.msk $0xffff, v18;
	(pc) =	sbr.rel @p0 .LBB2_8-.Ltmp3, $4  }
0x198: {  	v19 =	vld.idx.msk [tilespmem:v20+s12+$0x0], $0xffff  }
0x199: {  	v20 =	vor.u32 v14, v17  }
0x19a: {  	v18 =	vadd.s32 v15, v22  }
0x19b: {  	s23 =	sadd.s32 $0x1, s23;
	v21 =	vadd.s32 s22, v0  }
0x19c: {  	_ = 	snop  }
0x19d: {  	vm0 =	vgt.u32 v21, $0x3F;
	v22 =	vadd.s32 s22, v1  }
0x19e: {  	v21 =	vsel vm0, v22, v21  }
0x19f: {  	v22 =	vshll.u32 v21, $0x2;
	v23 =	vshll.u32 v21, $0x5  }
0x1a0: {  	[tilespmem:v20+s18+$0x0] =	vst.idx.msk $0xffff, v19;
	v19 =	vand.u32 $0x7C, v22;
	v50 =	vand.u32 $0xFFFFFC00, v23  }
0x1a1: {  	v17 =	vor.u32 v16, v17;
	v18 =	vld.idx.msk [tilespmem:v18+s12+$0x0], $0xffff;
	v19 =	vor.u32 v19, v50  }
0x1a2: {  	v20 =	vadd.s32 v2, v19;
	_ =	sdelay $0x3  }
0x1a3: {  	[tilespmem:v17+s18+$0x0] =	vst.idx.msk $0xffff, v18;
	v17 =	vshll.u32 v21, $0x7  }
0x1a4: {  	v51 =	vor.u32 v0, v17;
	v18 =	vld.idx.msk [tilespmem:v20+s12+$0x0], $0xffff  }
0x1a5: {  	v52 =	vadd.s32 v3, v19;
	_ =	sdelay $0x3  }
0x1a6: {  	[tilespmem:v51+s18+$0x0] =	vst.idx.msk $0xffff, v18  }
0x1a7: {  	v53 =	vor.u32 v4, v17;
	v18 =	vld.idx.msk [tilespmem:v52+s12+$0x0], $0xffff  }
0x1a8: {  	v54 =	vadd.s32 v5, v19;
	_ =	sdelay $0x3  }
0x1a9: {  	[tilespmem:v53+s18+$0x0] =	vst.idx.msk $0xffff, v18  }
0x1aa: {  	v55 =	vor.u32 v6, v17;
	v18 =	vld.idx.msk [tilespmem:v54+s12+$0x0], $0xffff  }
0x1ab: {  	v56 =	vadd.s32 v7, v19;
	_ =	sdelay $0x3  }
0x1ac: {  	[tilespmem:v55+s18+$0x0] =	vst.idx.msk $0xffff, v18  }
0x1ad: {  	v57 =	vor.u32 v8, v17;
	v18 =	vld.idx.msk [tilespmem:v56+s12+$0x0], $0xffff  }
0x1ae: {  	v58 =	vadd.s32 v9, v19;
	_ =	sdelay $0x3  }
0x1af: {  	[tilespmem:v57+s18+$0x0] =	vst.idx.msk $0xffff, v18  }
0x1b0: {  	v59 =	vor.u32 v10, v17;
	v18 =	vld.idx.msk [tilespmem:v58+s12+$0x0], $0xffff  }
0x1b1: {  	v60 =	vadd.s32 v11, v19;
	_ =	sdelay $0x3  }
0x1b2: {  	[tilespmem:v59+s18+$0x0] =	vst.idx.msk $0xffff, v18  }
0x1b3: {  	v61 =	vor.u32 v12, v17;
	v18 =	vld.idx.msk [tilespmem:v60+s12+$0x0], $0xffff  }
0x1b4: {  	v62 =	vadd.s32 v13, v19;
	_ =	sdelay $0x3  }
0x1b5: {  	[tilespmem:v61+s18+$0x0] =	vst.idx.msk $0xffff, v18  }
0x1b6: {  	v63 =	vor.u32 v14, v17;
	v18 =	vld.idx.msk [tilespmem:v62+s12+$0x0], $0xffff  }
0x1b7: {  	v19 =	vadd.s32 v15, v19;
	_ =	sdelay $0x3  }
0x1b8: {  	[tilespmem:v63+s18+$0x0] =	vst.idx.msk $0xffff, v18  }
0x1b9: {  	v17 =	vor.u32 v16, v17;
	v18 =	vld.idx.msk [tilespmem:v19+s12+$0x0], $0xffff;
	_ =	sdelay $0x4  }
0x1ba: {  	s21 =	sadd.s32 $0x1, s21;
	[tilespmem:v17+s18+$0x0] =	vst.idx.msk $0xffff, v18  }
0x1bb: {  	[hbm4b:s10+s15] =	stream.strided.scatter [tilespmem:s18], [sflag:$0x4], $0x2000, s16, s15, $0x38;
	[tilespmem:$0x14000] =	vst v63  }
0x1bc: {  	p0 =	sne.s32 s21, s11;
	_ =	swait.ge [sflag:s19], $0x2000  }
.Ltmp4:
0x1bd: {  	[sflag:s19] =	ssyncset.done $0x0;
	(pc) =	sbr.rel @p0 .LBB2_1-.Ltmp4, $4  }
0x1be: {  	[sflag:s19] =	ssyncadd.s32 $0xFFFFE000  }
0x1bf: {  	_ =	swait.ge [sflag:s20], $0x2000  }
0x1c0: {  	[sflag:s20] =	ssyncset.done $0x0  }
0x1c1: {  	[sflag:s20] =	ssyncadd.s32 $0xFFFFE000  }
0x1c2: {  	_ =	sfence.sel $0x180000  }
0x1c3: {  	[bflag:$0x0] =	sbarrier.arrive $0xFFFF  }
0x1c4: {  	p0 =	sne.s32 s2, $0x0;
	_ =	strace $0x90000047  }
0x1c5: {  	s0 =	sadd.s32 @!p0 $0x100000, s0;
	[bflag:$0x2] =	sbarrier.arrive $0xFFFF  }
0x1c6: {  	[sflag:s0] =	ssyncadd.tile.s32 @!p0 $0x1;
	_ =	shalt  }
.Lfunc_end2:
_tile_overlayer_lowered:
.L_overlay_start_2:
0x1c7: {  	(tag) =	ssettag $0x2  }
0x1c8: {  	s0 =	rddreg [dreg:$0x0];
	s2 =	stileid.u32  }
0x1c9: {  	s1 =	rddreg [dreg:$0x1];
	p0 =	sne.s32 s2, $0x0  }
0x1ca: {  	s3 =	rddreg [dreg:$0x2];
	[bflag:$0x3] =	sbarrier.arrive $0xFFFF;
	s2 =	simm.s32 @!p0 $0x1C05  }
0x1cb: {  	[timem:s3], [sflag:s2] =	dma.local @!p0 [hbm:s0], s1  }
0x1cc: {  	s0 =	simm.s32 @!p0 $0x5  }
0x1cd: {  	_ =	swait.ge @!p0 [sflag:s0], s1  }
0x1ce: {  	s1 =	ssub.s32 @!p0 $0x0, s1;
	[sflag:s0] =	ssyncset.done @!p0 $0x0  }
0x1cf: {  	[sflag:s0] =	ssyncadd.s32 @!p0 s1  }
0x1d0: {  	[bflag:$0x3] =	sbarrier.arrive $0xFFFF  }
0x1d1: {  	_ =	shalt  }

</sc_bundles>
